<compile_context>
chip_gen: v7x
topology: tpu7x:2x2x1
jax: 0.10.2.dev20260603
libtpu: 0.0.44.dev20260713+nightly
codegen_flags: <defaults>
</compile_context>

<pallas_src>
import functools

import jax
import jax.numpy as jnp
import numpy as np
from jax import lax
from jax.experimental import pallas as pl
from jax.experimental.pallas import tpu as pltpu
from jax.experimental.pallas import tpu_sc as plsc

N_ELEMENTS = 1000000
DIM = 32
MAX_LEN = 200
B = 4096
L = 200

NC = 2
NS = 16
NW = NC * NS

K1 = 16384
Q1 = K1 // 4
SHQ = Q1.bit_length() - 1
NBLK1 = -(-N_ELEMENTS // K1)
NPAD = NBLK1 * K1

TL = L // 8
TB = B // 128
HUNITS = TL * TB * 2
HUPW = HUNITS // NW
HROWS = 4 * 128


def _sinusoidal_pe():
    pos = np.arange(MAX_LEN, dtype=np.float32)[:, None]
    div = np.exp(np.arange(0, DIM, 2, dtype=np.float32) * (-np.log(10000.0) / DIM))
    pe = np.zeros((MAX_LEN, DIM), dtype=np.float32)
    pe[:, 0::2] = np.sin(pos * div)
    pe[:, 1::2] = np.cos(pos * div)
    return pe


_PE = _sinusoidal_pe()


def _selectors():
    e = np.zeros((4, 32, 128), dtype=np.float32)
    for k in range(4):
        for c in range(32):
            e[k, c, 32 * k + c] = 1.0
    return e


_E = _selectors()


def _tc_body(x_ref, e_ref, y_ref):
    def dots(x):
        acc = jnp.zeros((Q1, 128), jnp.float32)
        for k in range(4):
            xk = x[:, k * Q1:(k + 1) * Q1]
            acc = acc + lax.dot_general(
                xk, e_ref[k], (((0,), (0,)), ((), ())),
                preferred_element_type=jnp.float32)
        return acc

    pid = pl.program_id(0)

    @pl.when(pid != NBLK1 - 1)
    def _():
        y_ref[...] = dots(x_ref[...])

    @pl.when(pid == NBLK1 - 1)
    def _():
        gcol = pid * K1 + lax.broadcasted_iota(jnp.int32, (32, K1), 1)
        y_ref[...] = dots(jnp.where(gcol < N_ELEMENTS, x_ref[...], 0.0))


def _relayout_table(tT, e):
    return pl.pallas_call(
        _tc_body,
        grid=(NBLK1,),
        in_specs=[
            pl.BlockSpec((32, K1), lambda i: (0, i)),
            pl.BlockSpec((4, 32, 128), lambda i: (0, 0, 0)),
        ],
        out_specs=pl.BlockSpec((Q1, 128), lambda i: (i, 0)),
        out_shape=jax.ShapeDtypeStruct((NPAD // 4, 128), jnp.float32),
    )(tT, e)


def _sc_body(table_hbm, idx4_hbm, pe_hbm, out4_hbm,
             idx_a, idx_b, m_a, m_b, pe_v, rows_a, rows_b, tbuf_a, tbuf_b,
             sem_a, sem_b, wsem_a, wsem_b):
    wid = lax.axis_index("s") * NC + lax.axis_index("c")
    base = wid * HUPW

    pltpu.sync_copy(pe_hbm, pe_v)

    iota16 = lax.iota(jnp.int32, 16)

    def unpack(v):
        tl = lax.shift_right_logical(v, 6)
        tb = lax.shift_right_logical(v, 1) & 31
        h = v & 1
        return tl, tb, h

    def fetch(v, idx_v, m_v, rows_v, sem):
        tl, tb, h = unpack(v)
        pltpu.sync_copy(idx4_hbm.at[tl, tb, h], idx_v)

        def m_body(q, c):
            r = idx_v[pl.ds(q * 16, 16)]
            m = ((r & -K1)
                 | lax.shift_left(r & (Q1 - 1), 2)
                 | (lax.shift_right_logical(r, SHQ) & 3))
            m_v[pl.ds(q * 16, 16)] = m
            return c

        lax.fori_loop(0, HROWS // 16, m_body, 0, unroll=False)
        pltpu.async_copy(table_hbm.at[m_v], rows_v, sem)

    def compute(v, rows_v, tbuf_v, wsem):
        tl, tb, h = unpack(v)
        lbase = tl * 8 + h * 4

        def t_body(li, c_):
            l = lbase + li
            p_lo = pe_v[l, pl.ds(0, 16)]
            p_hi = pe_v[l, pl.ds(16, 16)]
            r_lo = iota16 + li * 32
            r_hi = r_lo + 16

            def bi_body(bi, col):
                row = li * 128 + bi
                v_lo = rows_v[row, pl.ds(0, 16)] + p_lo
                v_hi = rows_v[row, pl.ds(16, 16)] + p_hi
                plsc.store_scatter(tbuf_v, [r_lo, col], v_lo)
                plsc.store_scatter(tbuf_v, [r_hi, col], v_hi)
                return col + 1

            lax.fori_loop(0, 128, bi_body, jnp.zeros((16,), jnp.int32),
                          unroll=8)
            return c_

        lax.fori_loop(0, 4, t_body, 0, unroll=False)

        def w_body(rowid, c_):
            li = lax.shift_right_logical(rowid, 2)
            cb = rowid & 3
            l = lbase + li
            pltpu.async_copy(tbuf_v.at[pl.ds(rowid * 8, 8), pl.ds(0, 128)],
                             out4_hbm.at[l, cb, tb], wsem)
            return c_

        lax.fori_loop(0, 16, w_body, 0, unroll=False)

    def drain_writes(tbuf_v, wsem):
        def wd_body(i, c_):
            pltpu.make_async_copy(tbuf_v.at[pl.ds(0, 8), pl.ds(0, 128)],
                                  out4_hbm.at[0, 0, 0], wsem).wait()
            return c_

        lax.fori_loop(0, 16, wd_body, 0, unroll=False)

    def drain_gather(rows_v, sem):
        pltpu.make_async_copy(table_hbm.at[pl.ds(0, HROWS)], rows_v, sem).wait()

    fetch(base, idx_a, m_a, rows_a, sem_a)

    def pair_body(n, carry):
        v0 = base + 2 * n
        v1 = v0 + 1
        vn = jnp.minimum(v0 + 2, HUNITS - 1)

        drain_gather(rows_a, sem_a)
        fetch(v1, idx_b, m_b, rows_b, sem_b)

        @pl.when(n > 0)
        def _():
            drain_writes(tbuf_a, wsem_a)

        compute(v0, rows_a, tbuf_a, wsem_a)

        drain_gather(rows_b, sem_b)
        fetch(vn, idx_a, m_a, rows_a, sem_a)

        @pl.when(n > 0)
        def _():
            drain_writes(tbuf_b, wsem_b)

        compute(v1, rows_b, tbuf_b, wsem_b)
        return carry

    lax.fori_loop(0, HUPW // 2, pair_body, 0, unroll=False)

    drain_gather(rows_a, sem_a)
    drain_writes(tbuf_a, wsem_a)
    drain_writes(tbuf_b, wsem_b)


@jax.jit
def _run(kb_ids_seq, key_emb_table):
    table_lin = _relayout_table(key_emb_table.T, jnp.asarray(_E)).reshape(NPAD, DIM)
    idx4 = kb_ids_seq.T.reshape(TL, 8, TB, 128).transpose(0, 2, 1, 3).reshape(TL, TB, 2, 512)
    mesh = plsc.VectorSubcoreMesh(core_axis_name="c", subcore_axis_name="s")
    f = pl.kernel(
        _sc_body,
        out_type=jax.ShapeDtypeStruct((L, 4, TB, 8, 128), jnp.float32),
        mesh=mesh,
        scratch_types=[
            pltpu.VMEM((HROWS,), jnp.int32),
            pltpu.VMEM((HROWS,), jnp.int32),
            pltpu.VMEM((HROWS,), jnp.int32),
            pltpu.VMEM((HROWS,), jnp.int32),
            pltpu.VMEM((MAX_LEN, DIM), jnp.float32),
            pltpu.VMEM((HROWS, DIM), jnp.float32),
            pltpu.VMEM((HROWS, DIM), jnp.float32),
            pltpu.VMEM((128, 129), jnp.float32),
            pltpu.VMEM((128, 129), jnp.float32),
            pltpu.SemaphoreType.DMA,
            pltpu.SemaphoreType.DMA,
            pltpu.SemaphoreType.DMA,
            pltpu.SemaphoreType.DMA,
        ],
        compiler_params=pltpu.CompilerParams(
            use_tc_tiling_on_sc=False, needs_layout_passes=False),
    )
    out4 = f(table_lin, idx4, jnp.asarray(_PE))
    out = (out4.transpose(2, 4, 0, 1, 3)
           .reshape(B, L, DIM))
    return out


def kernel(kb_ids_seq, key_emb_table):
    return _run(kb_ids_seq, key_emb_table)

# --- scband reference (transcript-rebuilt; emitter-appended) ---
"""Pipeline reference for scband-nearest-embedding-with-pos-90692529422964 (READ-ONLY COPY).

The authoritative reference and input builder live on the scoring server;
editing this copy changes nothing except your own understanding.
"""

import jax, jax.numpy as jnp
import numpy as np

N_ELEMENTS = 1000000
DIM = 32
MAX_LEN = 200
B = 4096
L = 200
DROPOUT = 0.0  # inference / p=0 -> identity


def sinusoidal_pe(max_len, dim):
    pos = np.arange(max_len, dtype=np.float32)[:, None]
    div = np.exp(np.arange(0, dim, 2, dtype=np.float32) * (-np.log(10000.0) / dim))
    pe = np.zeros((max_len, dim), dtype=np.float32)
    pe[:, 0::2] = np.sin(pos * div)
    pe[:, 1::2] = np.cos(pos * div)
    return jnp.asarray(pe)


def setup_inputs(seed: int = 0) -> dict:
    key = jax.random.key(seed)
    k1, k2 = jax.random.split(key)
    kb_ids_seq = jax.random.randint(k1, (B, L), 0, N_ELEMENTS, dtype=jnp.int32)
    # learned parameter: embedding table, init like nn.Embedding (N(0,1))
    key_emb_table = jax.random.normal(k2, (N_ELEMENTS, DIM), dtype=jnp.float32)
    return {"kb_ids_seq": kb_ids_seq, "key_emb_table": key_emb_table}


def reference(kb_ids_seq, key_emb_table):
    # nn.Embedding lookup (gather)
    emb = jnp.take(key_emb_table, kb_ids_seq, axis=0)  # [B, L, DIM]
    # sinusoidal positional encoding added over the sequence axis
    pe = sinusoidal_pe(MAX_LEN, DIM)
    out = emb + pe[None, : emb.shape[1], :]
    # dropout with p=0.0 (eval) is the identity
    return out

if __name__ == "__main__":
    import jax
    _d = setup_inputs()
    print(jax.jit(kernel)(*tuple(_d.values())))

</pallas_src>

<mosaic_0001>
#map = affine_map<(d0, d1) -> (0, 0)>
#map1 = affine_map<(d0, d1) -> (0, 0, 0, 0)>
#map2 = affine_map<(d0, d1) -> (0, 0, 0, 0, 0)>
module attributes {stable_mosaic.version = 14 : i64} {
  func.func @_sc_body(%arg0: i32, %arg1: i32, %arg2: memref<1015808x32xf32, #tpu.memory_space<hbm>>, %arg3: memref<25x32x2x512xi32, #tpu.memory_space<hbm>>, %arg4: memref<200x32xf32, #tpu.memory_space<hbm>>, %arg5: memref<200x4x32x8x128xf32, #tpu.memory_space<hbm>>, %arg6: memref<512xi32, #tpu.memory_space<vmem>>, %arg7: memref<512xi32, #tpu.memory_space<vmem>>, %arg8: memref<512xi32, #tpu.memory_space<vmem>>, %arg9: memref<512xi32, #tpu.memory_space<vmem>>, %arg10: memref<200x32xf32, #tpu.memory_space<vmem>>, %arg11: memref<512x32xf32, #tpu.memory_space<vmem>>, %arg12: memref<512x32xf32, #tpu.memory_space<vmem>>, %arg13: memref<128x129xf32, #tpu.memory_space<vmem>>, %arg14: memref<128x129xf32, #tpu.memory_space<vmem>>, %arg15: memref<!tpu.dma_semaphore, #tpu.memory_space<semaphore_mem>>, %arg16: memref<!tpu.dma_semaphore, #tpu.memory_space<semaphore_mem>>, %arg17: memref<!tpu.dma_semaphore, #tpu.memory_space<semaphore_mem>>, %arg18: memref<!tpu.dma_semaphore, #tpu.memory_space<semaphore_mem>>) attributes {dimension_semantics = [#tpu.dimension_semantics<core_parallel>, #tpu.dimension_semantics<subcore_parallel>], iteration_bounds = array<i64: 2, 16>, scalar_prefetch = 0 : i64, scratch_operands = 13 : i64, tpu.core_type = #tpu.core_type<sc_vector_subcore>, window_params = [{transform_indices = #map}, {transform_indices = #map1}, {transform_indices = #map}, {transform_indices = #map2}]} {
    %mul3A = arith.constant 2 : i32
    %mul3A_0 = arith.muli %arg1, %mul3A : i32
    %add3A = arith.addi %mul3A_0, %arg0 : i32
    %mul3A_1 = arith.constant 50 : i32
    %mul3A_2 = arith.muli %add3A, %mul3A_1 : i32
    "tpu.region"() ({
      %run_scoped3A = tpu.sem_alloc : memref<!tpu.dma_semaphore, #tpu.memory_space<semaphore_mem>>
      tpu.enqueue_dma source(%arg4 : memref<200x32xf32, #tpu.memory_space<hbm>>) target(%arg10 : memref<200x32xf32, #tpu.memory_space<vmem>>) target_semaphore(%run_scoped3A : memref<!tpu.dma_semaphore, #tpu.memory_space<semaphore_mem>>)
      tpu.wait_dma2 semaphore(%run_scoped3A : memref<!tpu.dma_semaphore, #tpu.memory_space<semaphore_mem>>) src(%arg4 : memref<200x32xf32, #tpu.memory_space<hbm>>) dst(%arg10 : memref<200x32xf32, #tpu.memory_space<vmem>>)
      tpu.yield
    }) : () -> ()
    %iota3A = tpu.iota {dimensions = array<i32: 0>} : vector<16xi32>
    %shift_right_logical3A = arith.constant 6 : i32
    %shift_right_logical3A_3 = arith.shrui %mul3A_2, %shift_right_logical3A : i32
    %shift_right_logical3A_4 = arith.constant 1 : i32
    %shift_right_logical3A_5 = arith.shrui %mul3A_2, %shift_right_logical3A_4 : i32
    %and3A = arith.constant 31 : i32
    %and3A_6 = arith.andi %shift_right_logical3A_5, %and3A : i32
    %and3A_7 = arith.constant 1 : i32
    %and3A_8 = arith.andi %mul3A_2, %and3A_7 : i32
    "tpu.region"() ({
      %run_scoped3A = tpu.sem_alloc : memref<!tpu.dma_semaphore, #tpu.memory_space<semaphore_mem>>
      %dma_start3A_39 = arith.constant 0 : i32
      %dma_start3A_40 = tpu.memref_slice %arg3[%shift_right_logical3A_3, %and3A_6, %and3A_8, %dma_start3A_39] : memref<25x32x2x512xi32, #tpu.memory_space<hbm>> -> memref<1x1x1x512xi32, #tpu.memory_space<hbm>>
      %dma_start3A_41 = tpu.memref_squeeze %dma_start3A_40 : memref<1x1x1x512xi32, #tpu.memory_space<hbm>> -> memref<512xi32, #tpu.memory_space<hbm>>
      %dma_start3A_42 = arith.constant 0 : i32
      %dma_start3A_43 = tpu.memref_slice %arg3[%shift_right_logical3A_3, %and3A_6, %and3A_8, %dma_start3A_42] : memref<25x32x2x512xi32, #tpu.memory_space<hbm>> -> memref<1x1x1x512xi32, #tpu.memory_space<hbm>>
      %dma_start3A_44 = tpu.memref_squeeze %dma_start3A_43 : memref<1x1x1x512xi32, #tpu.memory_space<hbm>> -> memref<512xi32, #tpu.memory_space<hbm>>
      tpu.enqueue_dma source(%dma_start3A_44 : memref<512xi32, #tpu.memory_space<hbm>>) target(%arg6 : memref<512xi32, #tpu.memory_space<vmem>>) target_semaphore(%run_scoped3A : memref<!tpu.dma_semaphore, #tpu.memory_space<semaphore_mem>>)
      %dma_wait3A_45 = arith.constant 0 : i32
      %dma_wait3A_46 = tpu.memref_slice %arg3[%shift_right_logical3A_3, %and3A_6, %and3A_8, %dma_wait3A_45] : memref<25x32x2x512xi32, #tpu.memory_space<hbm>> -> memref<1x1x1x512xi32, #tpu.memory_space<hbm>>
      %dma_wait3A_47 = tpu.memref_squeeze %dma_wait3A_46 : memref<1x1x1x512xi32, #tpu.memory_space<hbm>> -> memref<512xi32, #tpu.memory_space<hbm>>
      %dma_wait3A_48 = arith.constant 0 : i32
      %dma_wait3A_49 = tpu.memref_slice %arg3[%shift_right_logical3A_3, %and3A_6, %and3A_8, %dma_wait3A_48] : memref<25x32x2x512xi32, #tpu.memory_space<hbm>> -> memref<1x1x1x512xi32, #tpu.memory_space<hbm>>
      %dma_wait3A_50 = tpu.memref_squeeze %dma_wait3A_49 : memref<1x1x1x512xi32, #tpu.memory_space<hbm>> -> memref<512xi32, #tpu.memory_space<hbm>>
      tpu.wait_dma2 semaphore(%run_scoped3A : memref<!tpu.dma_semaphore, #tpu.memory_space<semaphore_mem>>) src(%dma_wait3A_50 : memref<512xi32, #tpu.memory_space<hbm>>) dst(%arg6 : memref<512xi32, #tpu.memory_space<vmem>>)
      tpu.yield
    }) : () -> ()
    %scan3A = arith.constant 0 : i32
    %scan3A_9 = arith.constant 0 : i32
    %scan3A_10 = arith.constant 32 : i32
    %scan3A_11 = arith.addi %scan3A_9, %scan3A_10 : i32
    %scan3A_12 = arith.constant 1 : i32
    scf.for %scan3A_39 = %scan3A_9 to %scan3A_11 step %scan3A_12  : i32 {
      %mul3A_40 = arith.constant 16 : i32
      %mul3A_41 = arith.muli %scan3A_39, %mul3A_40 : i32
      %get3A = arith.index_cast %mul3A_41 : i32 to index
      %get3A_42 = tpu.vector_load %arg6[%get3A] {strides = array<i32>} : memref<512xi32, #tpu.memory_space<vmem>>, vector<16xi32>,
      %and3A_43 = arith.constant -16384 : i32
      %and3A_44 = vector.broadcast %and3A_43 : i32 to vector<16xi32>
      %and3A_45 = arith.andi %get3A_42, %and3A_44 : vector<16xi32>
      %and3A_46 = arith.constant 4095 : i32
      %and3A_47 = vector.broadcast %and3A_46 : i32 to vector<16xi32>
      %and3A_48 = arith.andi %get3A_42, %and3A_47 : vector<16xi32>
      %shift_left3A = arith.constant 2 : i32
      %shift_left3A_49 = vector.broadcast %shift_left3A : i32 to vector<16xi32>
      %shift_left3A_50 = arith.shli %and3A_48, %shift_left3A_49 : vector<16xi32>
      %or3A = arith.ori %and3A_45, %shift_left3A_50 : vector<16xi32>
      %shift_right_logical3A_51 = arith.constant 12 : i32
      %shift_right_logical3A_52 = vector.broadcast %shift_right_logical3A_51 : i32 to vector<16xi32>
      %shift_right_logical3A_53 = arith.shrui %get3A_42, %shift_right_logical3A_52 : vector<16xi32>
      %and3A_54 = arith.constant 3 : i32
      %and3A_55 = vector.broadcast %and3A_54 : i32 to vector<16xi32>
      %and3A_56 = arith.andi %shift_right_logical3A_53, %and3A_55 : vector<16xi32>
      %or3A_57 = arith.ori %or3A, %and3A_56 : vector<16xi32>
      %mul3A_58 = arith.constant 16 : i32
      %mul3A_59 = arith.muli %scan3A_39, %mul3A_58 : i32
      %swap3A = arith.index_cast %mul3A_59 : i32 to index
      %swap3A_60 = tpu.vector_load %arg8[%swap3A] {strides = array<i32>} : memref<512xi32, #tpu.memory_space<vmem>>, vector<16xi32>,
      tpu.vector_store %arg8[%swap3A], %or3A_57 {strides = array<i32>} : memref<512xi32, #tpu.memory_space<vmem>>, vector<16xi32>,
    }
    %scan3A_13 = arith.constant 32 : i32
    %dma_start3A = arith.constant 0 : i32
    %dma_start3A_14 = arith.constant 0 : i32
    %dma_start3A_15 = tpu.memref_slice %arg2[%dma_start3A, %dma_start3A_14] : memref<1015808x32xf32, #tpu.memory_space<hbm>> -> memref<1015808x32xf32, #tpu.memory_space<hbm>>
    tpu.enqueue_indirect_dma source(%dma_start3A_15 : memref<1015808x32xf32, #tpu.memory_space<hbm>>) target(%arg11 : memref<512x32xf32, #tpu.memory_space<vmem>>) offsets(%arg8 : memref<512xi32, #tpu.memory_space<vmem>>) semaphore(%arg15 : memref<!tpu.dma_semaphore, #tpu.memory_space<semaphore_mem>>)
    %scan3A_16 = arith.constant 0 : i32
    %scan3A_17 = arith.constant 0 : i32
    %scan3A_18 = arith.constant 25 : i32
    %scan3A_19 = arith.addi %scan3A_17, %scan3A_18 : i32
    %scan3A_20 = arith.constant 1 : i32
    scf.for %scan3A_39 = %scan3A_17 to %scan3A_19 step %scan3A_20  : i32 {
      %mul3A_40 = arith.constant 2 : i32
      %mul3A_41 = arith.muli %mul3A_40, %scan3A_39 : i32
      %add3A_42 = arith.addi %mul3A_2, %mul3A_41 : i32
      %add3A_43 = arith.constant 1 : i32
      %add3A_44 = arith.addi %add3A_42, %add3A_43 : i32
      %add3A_45 = arith.constant 2 : i32
      %add3A_46 = arith.addi %add3A_42, %add3A_45 : i32
      %min3A = arith.constant 1599 : i32
      %min3A_47 = arith.minsi %add3A_46, %min3A : i32
      %dma_wait3A_48 = arith.constant 0 : i32
      %dma_wait3A_49 = arith.constant 0 : i32
      %dma_wait3A_50 = tpu.memref_slice %arg2[%dma_wait3A_48, %dma_wait3A_49] : memref<1015808x32xf32, #tpu.memory_space<hbm>> -> memref<512x32xf32, #tpu.memory_space<hbm>>
      %dma_wait3A_51 = arith.constant 0 : i32
      %dma_wait3A_52 = arith.constant 0 : i32
      %dma_wait3A_53 = tpu.memref_slice %arg2[%dma_wait3A_51, %dma_wait3A_52] : memref<1015808x32xf32, #tpu.memory_space<hbm>> -> memref<512x32xf32, #tpu.memory_space<hbm>>
      tpu.wait_dma2 semaphore(%arg15 : memref<!tpu.dma_semaphore, #tpu.memory_space<semaphore_mem>>) src(%dma_wait3A_53 : memref<512x32xf32, #tpu.memory_space<hbm>>) dst(%arg11 : memref<512x32xf32, #tpu.memory_space<vmem>>)
      %shift_right_logical3A_54 = arith.constant 6 : i32
      %shift_right_logical3A_55 = arith.shrui %add3A_44, %shift_right_logical3A_54 : i32
      %shift_right_logical3A_56 = arith.constant 1 : i32
      %shift_right_logical3A_57 = arith.shrui %add3A_44, %shift_right_logical3A_56 : i32
      %and3A_58 = arith.constant 31 : i32
      %and3A_59 = arith.andi %shift_right_logical3A_57, %and3A_58 : i32
      %and3A_60 = arith.constant 1 : i32
      %and3A_61 = arith.andi %add3A_44, %and3A_60 : i32
      "tpu.region"() ({
        %run_scoped3A = tpu.sem_alloc : memref<!tpu.dma_semaphore, #tpu.memory_space<semaphore_mem>>
        %dma_start3A_151 = arith.constant 0 : i32
        %dma_start3A_152 = tpu.memref_slice %arg3[%shift_right_logical3A_55, %and3A_59, %and3A_61, %dma_start3A_151] : memref<25x32x2x512xi32, #tpu.memory_space<hbm>> -> memref<1x1x1x512xi32, #tpu.memory_space<hbm>>
        %dma_start3A_153 = tpu.memref_squeeze %dma_start3A_152 : memref<1x1x1x512xi32, #tpu.memory_space<hbm>> -> memref<512xi32, #tpu.memory_space<hbm>>
        %dma_start3A_154 = arith.constant 0 : i32
        %dma_start3A_155 = tpu.memref_slice %arg3[%shift_right_logical3A_55, %and3A_59, %and3A_61, %dma_start3A_154] : memref<25x32x2x512xi32, #tpu.memory_space<hbm>> -> memref<1x1x1x512xi32, #tpu.memory_space<hbm>>
        %dma_start3A_156 = tpu.memref_squeeze %dma_start3A_155 : memref<1x1x1x512xi32, #tpu.memory_space<hbm>> -> memref<512xi32, #tpu.memory_space<hbm>>
        tpu.enqueue_dma source(%dma_start3A_156 : memref<512xi32, #tpu.memory_space<hbm>>) target(%arg7 : memref<512xi32, #tpu.memory_space<vmem>>) target_semaphore(%run_scoped3A : memref<!tpu.dma_semaphore, #tpu.memory_space<semaphore_mem>>)
        %dma_wait3A_157 = arith.constant 0 : i32
        %dma_wait3A_158 = tpu.memref_slice %arg3[%shift_right_logical3A_55, %and3A_59, %and3A_61, %dma_wait3A_157] : memref<25x32x2x512xi32, #tpu.memory_space<hbm>> -> memref<1x1x1x512xi32, #tpu.memory_space<hbm>>
        %dma_wait3A_159 = tpu.memref_squeeze %dma_wait3A_158 : memref<1x1x1x512xi32, #tpu.memory_space<hbm>> -> memref<512xi32, #tpu.memory_space<hbm>>
        %dma_wait3A_160 = arith.constant 0 : i32
        %dma_wait3A_161 = tpu.memref_slice %arg3[%shift_right_logical3A_55, %and3A_59, %and3A_61, %dma_wait3A_160] : memref<25x32x2x512xi32, #tpu.memory_space<hbm>> -> memref<1x1x1x512xi32, #tpu.memory_space<hbm>>
        %dma_wait3A_162 = tpu.memref_squeeze %dma_wait3A_161 : memref<1x1x1x512xi32, #tpu.memory_space<hbm>> -> memref<512xi32, #tpu.memory_space<hbm>>
        tpu.wait_dma2 semaphore(%run_scoped3A : memref<!tpu.dma_semaphore, #tpu.memory_space<semaphore_mem>>) src(%dma_wait3A_162 : memref<512xi32, #tpu.memory_space<hbm>>) dst(%arg7 : memref<512xi32, #tpu.memory_space<vmem>>)
        tpu.yield
      }) : () -> ()
      %scan3A_62 = arith.constant 0 : i32
      %scan3A_63 = arith.constant 0 : i32
      %scan3A_64 = arith.constant 32 : i32
      %scan3A_65 = arith.addi %scan3A_63, %scan3A_64 : i32
      %scan3A_66 = arith.constant 1 : i32
      scf.for %scan3A_151 = %scan3A_63 to %scan3A_65 step %scan3A_66  : i32 {
        %mul3A_152 = arith.constant 16 : i32
        %mul3A_153 = arith.muli %scan3A_151, %mul3A_152 : i32
        %get3A = arith.index_cast %mul3A_153 : i32 to index
        %get3A_154 = tpu.vector_load %arg7[%get3A] {strides = array<i32>} : memref<512xi32, #tpu.memory_space<vmem>>, vector<16xi32>,
        %and3A_155 = arith.constant -16384 : i32
        %and3A_156 = vector.broadcast %and3A_155 : i32 to vector<16xi32>
        %and3A_157 = arith.andi %get3A_154, %and3A_156 : vector<16xi32>
        %and3A_158 = arith.constant 4095 : i32
        %and3A_159 = vector.broadcast %and3A_158 : i32 to vector<16xi32>
        %and3A_160 = arith.andi %get3A_154, %and3A_159 : vector<16xi32>
        %shift_left3A = arith.constant 2 : i32
        %shift_left3A_161 = vector.broadcast %shift_left3A : i32 to vector<16xi32>
        %shift_left3A_162 = arith.shli %and3A_160, %shift_left3A_161 : vector<16xi32>
        %or3A = arith.ori %and3A_157, %shift_left3A_162 : vector<16xi32>
        %shift_right_logical3A_163 = arith.constant 12 : i32
        %shift_right_logical3A_164 = vector.broadcast %shift_right_logical3A_163 : i32 to vector<16xi32>
        %shift_right_logical3A_165 = arith.shrui %get3A_154, %shift_right_logical3A_164 : vector<16xi32>
        %and3A_166 = arith.constant 3 : i32
        %and3A_167 = vector.broadcast %and3A_166 : i32 to vector<16xi32>
        %and3A_168 = arith.andi %shift_right_logical3A_165, %and3A_167 : vector<16xi32>
        %or3A_169 = arith.ori %or3A, %and3A_168 : vector<16xi32>
        %mul3A_170 = arith.constant 16 : i32
        %mul3A_171 = arith.muli %scan3A_151, %mul3A_170 : i32
        %swap3A = arith.index_cast %mul3A_171 : i32 to index
        %swap3A_172 = tpu.vector_load %arg9[%swap3A] {strides = array<i32>} : memref<512xi32, #tpu.memory_space<vmem>>, vector<16xi32>,
        tpu.vector_store %arg9[%swap3A], %or3A_169 {strides = array<i32>} : memref<512xi32, #tpu.memory_space<vmem>>, vector<16xi32>,
      }
      %scan3A_67 = arith.constant 32 : i32
      %dma_start3A_68 = arith.constant 0 : i32
      %dma_start3A_69 = arith.constant 0 : i32
      %dma_start3A_70 = tpu.memref_slice %arg2[%dma_start3A_68, %dma_start3A_69] : memref<1015808x32xf32, #tpu.memory_space<hbm>> -> memref<1015808x32xf32, #tpu.memory_space<hbm>>
      tpu.enqueue_indirect_dma source(%dma_start3A_70 : memref<1015808x32xf32, #tpu.memory_space<hbm>>) target(%arg12 : memref<512x32xf32, #tpu.memory_space<vmem>>) offsets(%arg9 : memref<512xi32, #tpu.memory_space<vmem>>) semaphore(%arg16 : memref<!tpu.dma_semaphore, #tpu.memory_space<semaphore_mem>>)
      %gt3A = arith.constant 0 : i32
      %gt3A_71 = arith.cmpi sgt, %scan3A_39, %gt3A : i32
      %convert_element_type3A = arith.extui %gt3A_71 : i1 to i32
      %cond3A = arith.constant 0 : i32
      %cond3A_72 = arith.cmpi ne, %convert_element_type3A, %cond3A : i32
      scf.if %cond3A_72 {
        %scan3A_151 = arith.constant 0 : i32
        %scan3A_152 = arith.constant 0 : i32
        %scan3A_153 = arith.constant 16 : i32
        %scan3A_154 = arith.addi %scan3A_152, %scan3A_153 : i32
        %scan3A_155 = arith.constant 1 : i32
        scf.for %scan3A_157 = %scan3A_152 to %scan3A_154 step %scan3A_155  : i32 {
          %dma_wait3A_158 = arith.constant 0 : i32
          %dma_wait3A_159 = arith.constant 0 : i32
          %dma_wait3A_160 = arith.constant 0 : i32
          %dma_wait3A_161 = arith.constant 0 : i32
          %dma_wait3A_162 = arith.constant 0 : i32
          %dma_wait3A_163 = tpu.memref_slice %arg13[%dma_wait3A_161, %dma_wait3A_162] : memref<128x129xf32, #tpu.memory_space<vmem>> -> memref<8x128xf32, #tpu.memory_space<vmem>>
          %dma_wait3A_164 = arith.constant 0 : i32
          %dma_wait3A_165 = arith.constant 0 : i32
          %dma_wait3A_166 = tpu.memref_slice %arg5[%dma_wait3A_158, %dma_wait3A_159, %dma_wait3A_160, %dma_wait3A_164, %dma_wait3A_165] : memref<200x4x32x8x128xf32, #tpu.memory_space<hbm>> -> memref<1x1x1x8x128xf32, #tpu.memory_space<hbm>>
          %dma_wait3A_167 = tpu.memref_squeeze %dma_wait3A_166 : memref<1x1x1x8x128xf32, #tpu.memory_space<hbm>> -> memref<8x128xf32, #tpu.memory_space<hbm>>
          %dma_wait3A_168 = arith.constant 0 : i32
          %dma_wait3A_169 = arith.constant 0 : i32
          %dma_wait3A_170 = tpu.memref_slice %arg5[%dma_wait3A_158, %dma_wait3A_159, %dma_wait3A_160, %dma_wait3A_168, %dma_wait3A_169] : memref<200x4x32x8x128xf32, #tpu.memory_space<hbm>> -> memref<1x1x1x8x128xf32, #tpu.memory_space<hbm>>
          %dma_wait3A_171 = tpu.memref_squeeze %dma_wait3A_170 : memref<1x1x1x8x128xf32, #tpu.memory_space<hbm>> -> memref<8x128xf32, #tpu.memory_space<hbm>>
          %dma_wait3A_172 = arith.constant 0 : i32
          %dma_wait3A_173 = arith.constant 0 : i32
          %dma_wait3A_174 = tpu.memref_slice %arg13[%dma_wait3A_172, %dma_wait3A_173] : memref<128x129xf32, #tpu.memory_space<vmem>> -> memref<8x128xf32, #tpu.memory_space<vmem>>
          tpu.wait_dma2 semaphore(%arg17 : memref<!tpu.dma_semaphore, #tpu.memory_space<semaphore_mem>>) src(%dma_wait3A_174 : memref<8x128xf32, #tpu.memory_space<vmem>>) dst(%dma_wait3A_171 : memref<8x128xf32, #tpu.memory_space<hbm>>)
        }
        %scan3A_156 = arith.constant 16 : i32
      } else {
      }
      %shift_right_logical3A_73 = arith.constant 6 : i32
      %shift_right_logical3A_74 = arith.shrui %add3A_42, %shift_right_logical3A_73 : i32
      %shift_right_logical3A_75 = arith.constant 1 : i32
      %shift_right_logical3A_76 = arith.shrui %add3A_42, %shift_right_logical3A_75 : i32
      %and3A_77 = arith.constant 31 : i32
      %and3A_78 = arith.andi %shift_right_logical3A_76, %and3A_77 : i32
      %and3A_79 = arith.constant 1 : i32
      %and3A_80 = arith.andi %add3A_42, %and3A_79 : i32
      %mul3A_81 = arith.constant 8 : i32
      %mul3A_82 = arith.muli %shift_right_logical3A_74, %mul3A_81 : i32
      %mul3A_83 = arith.constant 4 : i32
      %mul3A_84 = arith.muli %and3A_80, %mul3A_83 : i32
      %add3A_85 = arith.addi %mul3A_82, %mul3A_84 : i32
      %scan3A_86 = arith.constant 0 : i32
      %scan3A_87 = arith.constant 0 : i32
      %scan3A_88 = arith.constant 4 : i32
      %scan3A_89 = arith.addi %scan3A_87, %scan3A_88 : i32
      %scan3A_90 = arith.constant 1 : i32
      scf.for %scan3A_151 = %scan3A_87 to %scan3A_89 step %scan3A_90  : i32 {
        %add3A_152 = arith.addi %add3A_85, %scan3A_151 : i32
        %get3A = arith.index_cast %add3A_152 : i32 to index
        %get3A_153 = arith.constant 0 : index
        %get3A_154 = tpu.vector_load %arg10[%get3A, %get3A_153] {strides = array<i32>} : memref<200x32xf32, #tpu.memory_space<vmem>>, vector<16xf32>,
        %get3A_155 = arith.index_cast %add3A_152 : i32 to index
        %get3A_156 = arith.constant 16 : index
        %get3A_157 = tpu.vector_load %arg10[%get3A_155, %get3A_156] {strides = array<i32>} : memref<200x32xf32, #tpu.memory_space<vmem>>, vector<16xf32>,
        %mul3A_158 = arith.constant 32 : i32
        %mul3A_159 = arith.muli %scan3A_151, %mul3A_158 : i32
        %add3A_160 = vector.broadcast %mul3A_159 : i32 to vector<16xi32>
        %add3A_161 = arith.addi %iota3A, %add3A_160 : vector<16xi32>
        %add3A_162 = arith.constant 16 : i32
        %add3A_163 = vector.broadcast %add3A_162 : i32 to vector<16xi32>
        %add3A_164 = arith.addi %add3A_161, %add3A_163 : vector<16xi32>
        %broadcast_in_dim3A = arith.constant 0 : i32
        %broadcast_in_dim3A_165 = vector.broadcast %broadcast_in_dim3A : i32 to vector<16xi32>
        %scan3A_166 = arith.constant 0 : i32
        %scan3A_167 = arith.constant 128 : i32
        %scan3A_168 = arith.addi %scan3A_166, %scan3A_167 : i32
        %scan3A_169 = arith.constant 8 : i32
        %scan3A_170 = scf.for %scan3A_172 = %scan3A_166 to %scan3A_168 step %scan3A_169 iter_args(%scan3A_173 = %broadcast_in_dim3A_165) -> (vector<16xi32>)  : i32 {
          %mul3A_174 = arith.constant 128 : i32
          %mul3A_175 = arith.muli %scan3A_151, %mul3A_174 : i32
          %add3A_176 = arith.addi %mul3A_175, %scan3A_172 : i32
          %get3A_177 = arith.index_cast %add3A_176 : i32 to index
          %get3A_178 = arith.constant 0 : index
          %get3A_179 = tpu.vector_load %arg11[%get3A_177, %get3A_178] {strides = array<i32>} : memref<512x32xf32, #tpu.memory_space<vmem>>, vector<16xf32>,
          %add3A_180 = arith.addf %get3A_179, %get3A_154 : vector<16xf32>
          %get3A_181 = arith.index_cast %add3A_176 : i32 to index
          %get3A_182 = arith.constant 16 : index
          %get3A_183 = tpu.vector_load %arg11[%get3A_181, %get3A_182] {strides = array<i32>} : memref<512x32xf32, #tpu.memory_space<vmem>>, vector<16xf32>,
          %add3A_184 = arith.addf %get3A_183, %get3A_157 : vector<16xf32>
          tpu.vector_store_idx %arg13[%add3A_161, %scan3A_173], %add3A_180 : memref<128x129xf32, #tpu.memory_space<vmem>>[vector<16xi32>, vector<16xi32>], vector<16xf32>,
          tpu.vector_store_idx %arg13[%add3A_164, %scan3A_173], %add3A_184 : memref<128x129xf32, #tpu.memory_space<vmem>>[vector<16xi32>, vector<16xi32>], vector<16xf32>,
          %add3A_185 = arith.constant 1 : i32
          %add3A_186 = vector.broadcast %add3A_185 : i32 to vector<16xi32>
          %add3A_187 = arith.addi %scan3A_173, %add3A_186 : vector<16xi32>
          %scan3A_188 = arith.constant 1 : i32
          %scan3A_189 = arith.addi %scan3A_172, %scan3A_188 : i32
          %mul3A_190 = arith.constant 128 : i32
          %mul3A_191 = arith.muli %scan3A_151, %mul3A_190 : i32
          %add3A_192 = arith.addi %mul3A_191, %scan3A_189 : i32
          %get3A_193 = arith.index_cast %add3A_192 : i32 to index
          %get3A_194 = arith.constant 0 : index
          %get3A_195 = tpu.vector_load %arg11[%get3A_193, %get3A_194] {strides = array<i32>} : memref<512x32xf32, #tpu.memory_space<vmem>>, vector<16xf32>,
          %add3A_196 = arith.addf %get3A_195, %get3A_154 : vector<16xf32>
          %get3A_197 = arith.index_cast %add3A_192 : i32 to index
          %get3A_198 = arith.constant 16 : index
          %get3A_199 = tpu.vector_load %arg11[%get3A_197, %get3A_198] {strides = array<i32>} : memref<512x32xf32, #tpu.memory_space<vmem>>, vector<16xf32>,
          %add3A_200 = arith.addf %get3A_199, %get3A_157 : vector<16xf32>
          tpu.vector_store_idx %arg13[%add3A_161, %add3A_187], %add3A_196 : memref<128x129xf32, #tpu.memory_space<vmem>>[vector<16xi32>, vector<16xi32>], vector<16xf32>,
          tpu.vector_store_idx %arg13[%add3A_164, %add3A_187], %add3A_200 : memref<128x129xf32, #tpu.memory_space<vmem>>[vector<16xi32>, vector<16xi32>], vector<16xf32>,
          %add3A_201 = arith.constant 1 : i32
          %add3A_202 = vector.broadcast %add3A_201 : i32 to vector<16xi32>
          %add3A_203 = arith.addi %add3A_187, %add3A_202 : vector<16xi32>
          %scan3A_204 = arith.constant 2 : i32
          %scan3A_205 = arith.addi %scan3A_172, %scan3A_204 : i32
          %mul3A_206 = arith.constant 128 : i32
          %mul3A_207 = arith.muli %scan3A_151, %mul3A_206 : i32
          %add3A_208 = arith.addi %mul3A_207, %scan3A_205 : i32
          %get3A_209 = arith.index_cast %add3A_208 : i32 to index
          %get3A_210 = arith.constant 0 : index
          %get3A_211 = tpu.vector_load %arg11[%get3A_209, %get3A_210] {strides = array<i32>} : memref<512x32xf32, #tpu.memory_space<vmem>>, vector<16xf32>,
          %add3A_212 = arith.addf %get3A_211, %get3A_154 : vector<16xf32>
          %get3A_213 = arith.index_cast %add3A_208 : i32 to index
          %get3A_214 = arith.constant 16 : index
          %get3A_215 = tpu.vector_load %arg11[%get3A_213, %get3A_214] {strides = array<i32>} : memref<512x32xf32, #tpu.memory_space<vmem>>, vector<16xf32>,
          %add3A_216 = arith.addf %get3A_215, %get3A_157 : vector<16xf32>
          tpu.vector_store_idx %arg13[%add3A_161, %add3A_203], %add3A_212 : memref<128x129xf32, #tpu.memory_space<vmem>>[vector<16xi32>, vector<16xi32>], vector<16xf32>,
          tpu.vector_store_idx %arg13[%add3A_164, %add3A_203], %add3A_216 : memref<128x129xf32, #tpu.memory_space<vmem>>[vector<16xi32>, vector<16xi32>], vector<16xf32>,
          %add3A_217 = arith.constant 1 : i32
          %add3A_218 = vector.broadcast %add3A_217 : i32 to vector<16xi32>
          %add3A_219 = arith.addi %add3A_203, %add3A_218 : vector<16xi32>
          %scan3A_220 = arith.constant 3 : i32
          %scan3A_221 = arith.addi %scan3A_172, %scan3A_220 : i32
          %mul3A_222 = arith.constant 128 : i32
          %mul3A_223 = arith.muli %scan3A_151, %mul3A_222 : i32
          %add3A_224 = arith.addi %mul3A_223, %scan3A_221 : i32
          %get3A_225 = arith.index_cast %add3A_224 : i32 to index
          %get3A_226 = arith.constant 0 : index
          %get3A_227 = tpu.vector_load %arg11[%get3A_225, %get3A_226] {strides = array<i32>} : memref<512x32xf32, #tpu.memory_space<vmem>>, vector<16xf32>,
          %add3A_228 = arith.addf %get3A_227, %get3A_154 : vector<16xf32>
          %get3A_229 = arith.index_cast %add3A_224 : i32 to index
          %get3A_230 = arith.constant 16 : index
          %get3A_231 = tpu.vector_load %arg11[%get3A_229, %get3A_230] {strides = array<i32>} : memref<512x32xf32, #tpu.memory_space<vmem>>, vector<16xf32>,
          %add3A_232 = arith.addf %get3A_231, %get3A_157 : vector<16xf32>
          tpu.vector_store_idx %arg13[%add3A_161, %add3A_219], %add3A_228 : memref<128x129xf32, #tpu.memory_space<vmem>>[vector<16xi32>, vector<16xi32>], vector<16xf32>,
          tpu.vector_store_idx %arg13[%add3A_164, %add3A_219], %add3A_232 : memref<128x129xf32, #tpu.memory_space<vmem>>[vector<16xi32>, vector<16xi32>], vector<16xf32>,
          %add3A_233 = arith.constant 1 : i32
          %add3A_234 = vector.broadcast %add3A_233 : i32 to vector<16xi32>
          %add3A_235 = arith.addi %add3A_219, %add3A_234 : vector<16xi32>
          %scan3A_236 = arith.constant 4 : i32
          %scan3A_237 = arith.addi %scan3A_172, %scan3A_236 : i32
          %mul3A_238 = arith.constant 128 : i32
          %mul3A_239 = arith.muli %scan3A_151, %mul3A_238 : i32
          %add3A_240 = arith.addi %mul3A_239, %scan3A_237 : i32
          %get3A_241 = arith.index_cast %add3A_240 : i32 to index
          %get3A_242 = arith.constant 0 : index
          %get3A_243 = tpu.vector_load %arg11[%get3A_241, %get3A_242] {strides = array<i32>} : memref<512x32xf32, #tpu.memory_space<vmem>>, vector<16xf32>,
          %add3A_244 = arith.addf %get3A_243, %get3A_154 : vector<16xf32>
          %get3A_245 = arith.index_cast %add3A_240 : i32 to index
          %get3A_246 = arith.constant 16 : index
          %get3A_247 = tpu.vector_load %arg11[%get3A_245, %get3A_246] {strides = array<i32>} : memref<512x32xf32, #tpu.memory_space<vmem>>, vector<16xf32>,
          %add3A_248 = arith.addf %get3A_247, %get3A_157 : vector<16xf32>
          tpu.vector_store_idx %arg13[%add3A_161, %add3A_235], %add3A_244 : memref<128x129xf32, #tpu.memory_space<vmem>>[vector<16xi32>, vector<16xi32>], vector<16xf32>,
          tpu.vector_store_idx %arg13[%add3A_164, %add3A_235], %add3A_248 : memref<128x129xf32, #tpu.memory_space<vmem>>[vector<16xi32>, vector<16xi32>], vector<16xf32>,
          %add3A_249 = arith.constant 1 : i32
          %add3A_250 = vector.broadcast %add3A_249 : i32 to vector<16xi32>
          %add3A_251 = arith.addi %add3A_235, %add3A_250 : vector<16xi32>
          %scan3A_252 = arith.constant 5 : i32
          %scan3A_253 = arith.addi %scan3A_172, %scan3A_252 : i32
          %mul3A_254 = arith.constant 128 : i32
          %mul3A_255 = arith.muli %scan3A_151, %mul3A_254 : i32
          %add3A_256 = arith.addi %mul3A_255, %scan3A_253 : i32
          %get3A_257 = arith.index_cast %add3A_256 : i32 to index
          %get3A_258 = arith.constant 0 : index
          %get3A_259 = tpu.vector_load %arg11[%get3A_257, %get3A_258] {strides = array<i32>} : memref<512x32xf32, #tpu.memory_space<vmem>>, vector<16xf32>,
          %add3A_260 = arith.addf %get3A_259, %get3A_154 : vector<16xf32>
          %get3A_261 = arith.index_cast %add3A_256 : i32 to index
          %get3A_262 = arith.constant 16 : index
          %get3A_263 = tpu.vector_load %arg11[%get3A_261, %get3A_262] {strides = array<i32>} : memref<512x32xf32, #tpu.memory_space<vmem>>, vector<16xf32>,
          %add3A_264 = arith.addf %get3A_263, %get3A_157 : vector<16xf32>
          tpu.vector_store_idx %arg13[%add3A_161, %add3A_251], %add3A_260 : memref<128x129xf32, #tpu.memory_space<vmem>>[vector<16xi32>, vector<16xi32>], vector<16xf32>,
          tpu.vector_store_idx %arg13[%add3A_164, %add3A_251], %add3A_264 : memref<128x129xf32, #tpu.memory_space<vmem>>[vector<16xi32>, vector<16xi32>], vector<16xf32>,
          %add3A_265 = arith.constant 1 : i32
          %add3A_266 = vector.broadcast %add3A_265 : i32 to vector<16xi32>
          %add3A_267 = arith.addi %add3A_251, %add3A_266 : vector<16xi32>
          %scan3A_268 = arith.constant 6 : i32
          %scan3A_269 = arith.addi %scan3A_172, %scan3A_268 : i32
          %mul3A_270 = arith.constant 128 : i32
          %mul3A_271 = arith.muli %scan3A_151, %mul3A_270 : i32
          %add3A_272 = arith.addi %mul3A_271, %scan3A_269 : i32
          %get3A_273 = arith.index_cast %add3A_272 : i32 to index
          %get3A_274 = arith.constant 0 : index
          %get3A_275 = tpu.vector_load %arg11[%get3A_273, %get3A_274] {strides = array<i32>} : memref<512x32xf32, #tpu.memory_space<vmem>>, vector<16xf32>,
          %add3A_276 = arith.addf %get3A_275, %get3A_154 : vector<16xf32>
          %get3A_277 = arith.index_cast %add3A_272 : i32 to index
          %get3A_278 = arith.constant 16 : index
          %get3A_279 = tpu.vector_load %arg11[%get3A_277, %get3A_278] {strides = array<i32>} : memref<512x32xf32, #tpu.memory_space<vmem>>, vector<16xf32>,
          %add3A_280 = arith.addf %get3A_279, %get3A_157 : vector<16xf32>
          tpu.vector_store_idx %arg13[%add3A_161, %add3A_267], %add3A_276 : memref<128x129xf32, #tpu.memory_space<vmem>>[vector<16xi32>, vector<16xi32>], vector<16xf32>,
          tpu.vector_store_idx %arg13[%add3A_164, %add3A_267], %add3A_280 : memref<128x129xf32, #tpu.memory_space<vmem>>[vector<16xi32>, vector<16xi32>], vector<16xf32>,
          %add3A_281 = arith.constant 1 : i32
          %add3A_282 = vector.broadcast %add3A_281 : i32 to vector<16xi32>
          %add3A_283 = arith.addi %add3A_267, %add3A_282 : vector<16xi32>
          %scan3A_284 = arith.constant 7 : i32
          %scan3A_285 = arith.addi %scan3A_172, %scan3A_284 : i32
          %mul3A_286 = arith.constant 128 : i32
          %mul3A_287 = arith.muli %scan3A_151, %mul3A_286 : i32
          %add3A_288 = arith.addi %mul3A_287, %scan3A_285 : i32
          %get3A_289 = arith.index_cast %add3A_288 : i32 to index
          %get3A_290 = arith.constant 0 : index
          %get3A_291 = tpu.vector_load %arg11[%get3A_289, %get3A_290] {strides = array<i32>} : memref<512x32xf32, #tpu.memory_space<vmem>>, vector<16xf32>,
          %add3A_292 = arith.addf %get3A_291, %get3A_154 : vector<16xf32>
          %get3A_293 = arith.index_cast %add3A_288 : i32 to index
          %get3A_294 = arith.constant 16 : index
          %get3A_295 = tpu.vector_load %arg11[%get3A_293, %get3A_294] {strides = array<i32>} : memref<512x32xf32, #tpu.memory_space<vmem>>, vector<16xf32>,
          %add3A_296 = arith.addf %get3A_295, %get3A_157 : vector<16xf32>
          tpu.vector_store_idx %arg13[%add3A_161, %add3A_283], %add3A_292 : memref<128x129xf32, #tpu.memory_space<vmem>>[vector<16xi32>, vector<16xi32>], vector<16xf32>,
          tpu.vector_store_idx %arg13[%add3A_164, %add3A_283], %add3A_296 : memref<128x129xf32, #tpu.memory_space<vmem>>[vector<16xi32>, vector<16xi32>], vector<16xf32>,
          %add3A_297 = arith.constant 1 : i32
          %add3A_298 = vector.broadcast %add3A_297 : i32 to vector<16xi32>
          %add3A_299 = arith.addi %add3A_283, %add3A_298 : vector<16xi32>
          scf.yield %add3A_299 : vector<16xi32>
        }
        %scan3A_171 = arith.constant 128 : i32
      }
      %scan3A_91 = arith.constant 4 : i32
      %scan3A_92 = arith.constant 0 : i32
      %scan3A_93 = arith.constant 0 : i32
      %scan3A_94 = arith.constant 16 : i32
      %scan3A_95 = arith.addi %scan3A_93, %scan3A_94 : i32
      %scan3A_96 = arith.constant 1 : i32
      scf.for %scan3A_151 = %scan3A_93 to %scan3A_95 step %scan3A_96  : i32 {
        %shift_right_logical3A_152 = arith.constant 2 : i32
        %shift_right_logical3A_153 = arith.shrui %scan3A_151, %shift_right_logical3A_152 : i32
        %and3A_154 = arith.constant 3 : i32
        %and3A_155 = arith.andi %scan3A_151, %and3A_154 : i32
        %add3A_156 = arith.addi %add3A_85, %shift_right_logical3A_153 : i32
        %mul3A_157 = arith.constant 8 : i32
        %mul3A_158 = arith.muli %scan3A_151, %mul3A_157 : i32
        %dma_start3A_159 = arith.constant 0 : i32
        %dma_start3A_160 = tpu.memref_slice %arg13[%mul3A_158, %dma_start3A_159] : memref<128x129xf32, #tpu.memory_space<vmem>> -> memref<8x128xf32, #tpu.memory_space<vmem>>
        %dma_start3A_161 = arith.constant 0 : i32
        %dma_start3A_162 = arith.constant 0 : i32
        %dma_start3A_163 = tpu.memref_slice %arg5[%add3A_156, %and3A_155, %and3A_78, %dma_start3A_161, %dma_start3A_162] : memref<200x4x32x8x128xf32, #tpu.memory_space<hbm>> -> memref<1x1x1x8x128xf32, #tpu.memory_space<hbm>>
        %dma_start3A_164 = tpu.memref_squeeze %dma_start3A_163 : memref<1x1x1x8x128xf32, #tpu.memory_space<hbm>> -> memref<8x128xf32, #tpu.memory_space<hbm>>
        %dma_start3A_165 = arith.constant 0 : i32
        %dma_start3A_166 = arith.constant 0 : i32
        %dma_start3A_167 = tpu.memref_slice %arg5[%add3A_156, %and3A_155, %and3A_78, %dma_start3A_165, %dma_start3A_166] : memref<200x4x32x8x128xf32, #tpu.memory_space<hbm>> -> memref<1x1x1x8x128xf32, #tpu.memory_space<hbm>>
        %dma_start3A_168 = tpu.memref_squeeze %dma_start3A_167 : memref<1x1x1x8x128xf32, #tpu.memory_space<hbm>> -> memref<8x128xf32, #tpu.memory_space<hbm>>
        %dma_start3A_169 = arith.constant 0 : i32
        %dma_start3A_170 = tpu.memref_slice %arg13[%mul3A_158, %dma_start3A_169] : memref<128x129xf32, #tpu.memory_space<vmem>> -> memref<8x128xf32, #tpu.memory_space<vmem>>
        tpu.enqueue_dma source(%dma_start3A_170 : memref<8x128xf32, #tpu.memory_space<vmem>>) target(%dma_start3A_168 : memref<8x128xf32, #tpu.memory_space<hbm>>) target_semaphore(%arg17 : memref<!tpu.dma_semaphore, #tpu.memory_space<semaphore_mem>>)
      }
      %scan3A_97 = arith.constant 16 : i32
      %dma_wait3A_98 = arith.constant 0 : i32
      %dma_wait3A_99 = arith.constant 0 : i32
      %dma_wait3A_100 = tpu.memref_slice %arg2[%dma_wait3A_98, %dma_wait3A_99] : memref<1015808x32xf32, #tpu.memory_space<hbm>> -> memref<512x32xf32, #tpu.memory_space<hbm>>
      %dma_wait3A_101 = arith.constant 0 : i32
      %dma_wait3A_102 = arith.constant 0 : i32
      %dma_wait3A_103 = tpu.memref_slice %arg2[%dma_wait3A_101, %dma_wait3A_102] : memref<1015808x32xf32, #tpu.memory_space<hbm>> -> memref<512x32xf32, #tpu.memory_space<hbm>>
      tpu.wait_dma2 semaphore(%arg16 : memref<!tpu.dma_semaphore, #tpu.memory_space<semaphore_mem>>) src(%dma_wait3A_103 : memref<512x32xf32, #tpu.memory_space<hbm>>) dst(%arg12 : memref<512x32xf32, #tpu.memory_space<vmem>>)
      %shift_right_logical3A_104 = arith.constant 6 : i32
      %shift_right_logical3A_105 = arith.shrui %min3A_47, %shift_right_logical3A_104 : i32
      %shift_right_logical3A_106 = arith.constant 1 : i32
      %shift_right_logical3A_107 = arith.shrui %min3A_47, %shift_right_logical3A_106 : i32
      %and3A_108 = arith.constant 31 : i32
      %and3A_109 = arith.andi %shift_right_logical3A_107, %and3A_108 : i32
      %and3A_110 = arith.constant 1 : i32
      %and3A_111 = arith.andi %min3A_47, %and3A_110 : i32
      "tpu.region"() ({
        %run_scoped3A = tpu.sem_alloc : memref<!tpu.dma_semaphore, #tpu.memory_space<semaphore_mem>>
        %dma_start3A_151 = arith.constant 0 : i32
        %dma_start3A_152 = tpu.memref_slice %arg3[%shift_right_logical3A_105, %and3A_109, %and3A_111, %dma_start3A_151] : memref<25x32x2x512xi32, #tpu.memory_space<hbm>> -> memref<1x1x1x512xi32, #tpu.memory_space<hbm>>
        %dma_start3A_153 = tpu.memref_squeeze %dma_start3A_152 : memref<1x1x1x512xi32, #tpu.memory_space<hbm>> -> memref<512xi32, #tpu.memory_space<hbm>>
        %dma_start3A_154 = arith.constant 0 : i32
        %dma_start3A_155 = tpu.memref_slice %arg3[%shift_right_logical3A_105, %and3A_109, %and3A_111, %dma_start3A_154] : memref<25x32x2x512xi32, #tpu.memory_space<hbm>> -> memref<1x1x1x512xi32, #tpu.memory_space<hbm>>
        %dma_start3A_156 = tpu.memref_squeeze %dma_start3A_155 : memref<1x1x1x512xi32, #tpu.memory_space<hbm>> -> memref<512xi32, #tpu.memory_space<hbm>>
        tpu.enqueue_dma source(%dma_start3A_156 : memref<512xi32, #tpu.memory_space<hbm>>) target(%arg6 : memref<512xi32, #tpu.memory_space<vmem>>) target_semaphore(%run_scoped3A : memref<!tpu.dma_semaphore, #tpu.memory_space<semaphore_mem>>)
        %dma_wait3A_157 = arith.constant 0 : i32
        %dma_wait3A_158 = tpu.memref_slice %arg3[%shift_right_logical3A_105, %and3A_109, %and3A_111, %dma_wait3A_157] : memref<25x32x2x512xi32, #tpu.memory_space<hbm>> -> memref<1x1x1x512xi32, #tpu.memory_space<hbm>>
        %dma_wait3A_159 = tpu.memref_squeeze %dma_wait3A_158 : memref<1x1x1x512xi32, #tpu.memory_space<hbm>> -> memref<512xi32, #tpu.memory_space<hbm>>
        %dma_wait3A_160 = arith.constant 0 : i32
        %dma_wait3A_161 = tpu.memref_slice %arg3[%shift_right_logical3A_105, %and3A_109, %and3A_111, %dma_wait3A_160] : memref<25x32x2x512xi32, #tpu.memory_space<hbm>> -> memref<1x1x1x512xi32, #tpu.memory_space<hbm>>
        %dma_wait3A_162 = tpu.memref_squeeze %dma_wait3A_161 : memref<1x1x1x512xi32, #tpu.memory_space<hbm>> -> memref<512xi32, #tpu.memory_space<hbm>>
        tpu.wait_dma2 semaphore(%run_scoped3A : memref<!tpu.dma_semaphore, #tpu.memory_space<semaphore_mem>>) src(%dma_wait3A_162 : memref<512xi32, #tpu.memory_space<hbm>>) dst(%arg6 : memref<512xi32, #tpu.memory_space<vmem>>)
        tpu.yield
      }) : () -> ()
      %scan3A_112 = arith.constant 0 : i32
      %scan3A_113 = arith.constant 0 : i32
      %scan3A_114 = arith.constant 32 : i32
      %scan3A_115 = arith.addi %scan3A_113, %scan3A_114 : i32
      %scan3A_116 = arith.constant 1 : i32
      scf.for %scan3A_151 = %scan3A_113 to %scan3A_115 step %scan3A_116  : i32 {
        %mul3A_152 = arith.constant 16 : i32
        %mul3A_153 = arith.muli %scan3A_151, %mul3A_152 : i32
        %get3A = arith.index_cast %mul3A_153 : i32 to index
        %get3A_154 = tpu.vector_load %arg6[%get3A] {strides = array<i32>} : memref<512xi32, #tpu.memory_space<vmem>>, vector<16xi32>,
        %and3A_155 = arith.constant -16384 : i32
        %and3A_156 = vector.broadcast %and3A_155 : i32 to vector<16xi32>
        %and3A_157 = arith.andi %get3A_154, %and3A_156 : vector<16xi32>
        %and3A_158 = arith.constant 4095 : i32
        %and3A_159 = vector.broadcast %and3A_158 : i32 to vector<16xi32>
        %and3A_160 = arith.andi %get3A_154, %and3A_159 : vector<16xi32>
        %shift_left3A = arith.constant 2 : i32
        %shift_left3A_161 = vector.broadcast %shift_left3A : i32 to vector<16xi32>
        %shift_left3A_162 = arith.shli %and3A_160, %shift_left3A_161 : vector<16xi32>
        %or3A = arith.ori %and3A_157, %shift_left3A_162 : vector<16xi32>
        %shift_right_logical3A_163 = arith.constant 12 : i32
        %shift_right_logical3A_164 = vector.broadcast %shift_right_logical3A_163 : i32 to vector<16xi32>
        %shift_right_logical3A_165 = arith.shrui %get3A_154, %shift_right_logical3A_164 : vector<16xi32>
        %and3A_166 = arith.constant 3 : i32
        %and3A_167 = vector.broadcast %and3A_166 : i32 to vector<16xi32>
        %and3A_168 = arith.andi %shift_right_logical3A_165, %and3A_167 : vector<16xi32>
        %or3A_169 = arith.ori %or3A, %and3A_168 : vector<16xi32>
        %mul3A_170 = arith.constant 16 : i32
        %mul3A_171 = arith.muli %scan3A_151, %mul3A_170 : i32
        %swap3A = arith.index_cast %mul3A_171 : i32 to index
        %swap3A_172 = tpu.vector_load %arg8[%swap3A] {strides = array<i32>} : memref<512xi32, #tpu.memory_space<vmem>>, vector<16xi32>,
        tpu.vector_store %arg8[%swap3A], %or3A_169 {strides = array<i32>} : memref<512xi32, #tpu.memory_space<vmem>>, vector<16xi32>,
      }
      %scan3A_117 = arith.constant 32 : i32
      %dma_start3A_118 = arith.constant 0 : i32
      %dma_start3A_119 = arith.constant 0 : i32
      %dma_start3A_120 = tpu.memref_slice %arg2[%dma_start3A_118, %dma_start3A_119] : memref<1015808x32xf32, #tpu.memory_space<hbm>> -> memref<1015808x32xf32, #tpu.memory_space<hbm>>
      tpu.enqueue_indirect_dma source(%dma_start3A_120 : memref<1015808x32xf32, #tpu.memory_space<hbm>>) target(%arg11 : memref<512x32xf32, #tpu.memory_space<vmem>>) offsets(%arg8 : memref<512xi32, #tpu.memory_space<vmem>>) semaphore(%arg15 : memref<!tpu.dma_semaphore, #tpu.memory_space<semaphore_mem>>)
      %gt3A_121 = arith.constant 0 : i32
      %gt3A_122 = arith.cmpi sgt, %scan3A_39, %gt3A_121 : i32
      %convert_element_type3A_123 = arith.extui %gt3A_122 : i1 to i32
      %cond3A_124 = arith.constant 0 : i32
      %cond3A_125 = arith.cmpi ne, %convert_element_type3A_123, %cond3A_124 : i32
      scf.if %cond3A_125 {
        %scan3A_151 = arith.constant 0 : i32
        %scan3A_152 = arith.constant 0 : i32
        %scan3A_153 = arith.constant 16 : i32
        %scan3A_154 = arith.addi %scan3A_152, %scan3A_153 : i32
        %scan3A_155 = arith.constant 1 : i32
        scf.for %scan3A_157 = %scan3A_152 to %scan3A_154 step %scan3A_155  : i32 {
          %dma_wait3A_158 = arith.constant 0 : i32
          %dma_wait3A_159 = arith.constant 0 : i32
          %dma_wait3A_160 = arith.constant 0 : i32
          %dma_wait3A_161 = arith.constant 0 : i32
          %dma_wait3A_162 = arith.constant 0 : i32
          %dma_wait3A_163 = tpu.memref_slice %arg14[%dma_wait3A_161, %dma_wait3A_162] : memref<128x129xf32, #tpu.memory_space<vmem>> -> memref<8x128xf32, #tpu.memory_space<vmem>>
          %dma_wait3A_164 = arith.constant 0 : i32
          %dma_wait3A_165 = arith.constant 0 : i32
          %dma_wait3A_166 = tpu.memref_slice %arg5[%dma_wait3A_158, %dma_wait3A_159, %dma_wait3A_160, %dma_wait3A_164, %dma_wait3A_165] : memref<200x4x32x8x128xf32, #tpu.memory_space<hbm>> -> memref<1x1x1x8x128xf32, #tpu.memory_space<hbm>>
          %dma_wait3A_167 = tpu.memref_squeeze %dma_wait3A_166 : memref<1x1x1x8x128xf32, #tpu.memory_space<hbm>> -> memref<8x128xf32, #tpu.memory_space<hbm>>
          %dma_wait3A_168 = arith.constant 0 : i32
          %dma_wait3A_169 = arith.constant 0 : i32
          %dma_wait3A_170 = tpu.memref_slice %arg5[%dma_wait3A_158, %dma_wait3A_159, %dma_wait3A_160, %dma_wait3A_168, %dma_wait3A_169] : memref<200x4x32x8x128xf32, #tpu.memory_space<hbm>> -> memref<1x1x1x8x128xf32, #tpu.memory_space<hbm>>
          %dma_wait3A_171 = tpu.memref_squeeze %dma_wait3A_170 : memref<1x1x1x8x128xf32, #tpu.memory_space<hbm>> -> memref<8x128xf32, #tpu.memory_space<hbm>>
          %dma_wait3A_172 = arith.constant 0 : i32
          %dma_wait3A_173 = arith.constant 0 : i32
          %dma_wait3A_174 = tpu.memref_slice %arg14[%dma_wait3A_172, %dma_wait3A_173] : memref<128x129xf32, #tpu.memory_space<vmem>> -> memref<8x128xf32, #tpu.memory_space<vmem>>
          tpu.wait_dma2 semaphore(%arg18 : memref<!tpu.dma_semaphore, #tpu.memory_space<semaphore_mem>>) src(%dma_wait3A_174 : memref<8x128xf32, #tpu.memory_space<vmem>>) dst(%dma_wait3A_171 : memref<8x128xf32, #tpu.memory_space<hbm>>)
        }
        %scan3A_156 = arith.constant 16 : i32
      } else {
      }
      %shift_right_logical3A_126 = arith.constant 6 : i32
      %shift_right_logical3A_127 = arith.shrui %add3A_44, %shift_right_logical3A_126 : i32
      %shift_right_logical3A_128 = arith.constant 1 : i32
      %shift_right_logical3A_129 = arith.shrui %add3A_44, %shift_right_logical3A_128 : i32
      %and3A_130 = arith.constant 31 : i32
      %and3A_131 = arith.andi %shift_right_logical3A_129, %and3A_130 : i32
      %and3A_132 = arith.constant 1 : i32
      %and3A_133 = arith.andi %add3A_44, %and3A_132 : i32
      %mul3A_134 = arith.constant 8 : i32
      %mul3A_135 = arith.muli %shift_right_logical3A_127, %mul3A_134 : i32
      %mul3A_136 = arith.constant 4 : i32
      %mul3A_137 = arith.muli %and3A_133, %mul3A_136 : i32
      %add3A_138 = arith.addi %mul3A_135, %mul3A_137 : i32
      %scan3A_139 = arith.constant 0 : i32
      %scan3A_140 = arith.constant 0 : i32
      %scan3A_141 = arith.constant 4 : i32
      %scan3A_142 = arith.addi %scan3A_140, %scan3A_141 : i32
      %scan3A_143 = arith.constant 1 : i32
      scf.for %scan3A_151 = %scan3A_140 to %scan3A_142 step %scan3A_143  : i32 {
        %add3A_152 = arith.addi %add3A_138, %scan3A_151 : i32
        %get3A = arith.index_cast %add3A_152 : i32 to index
        %get3A_153 = arith.constant 0 : index
        %get3A_154 = tpu.vector_load %arg10[%get3A, %get3A_153] {strides = array<i32>} : memref<200x32xf32, #tpu.memory_space<vmem>>, vector<16xf32>,
        %get3A_155 = arith.index_cast %add3A_152 : i32 to index
        %get3A_156 = arith.constant 16 : index
        %get3A_157 = tpu.vector_load %arg10[%get3A_155, %get3A_156] {strides = array<i32>} : memref<200x32xf32, #tpu.memory_space<vmem>>, vector<16xf32>,
        %mul3A_158 = arith.constant 32 : i32
        %mul3A_159 = arith.muli %scan3A_151, %mul3A_158 : i32
        %add3A_160 = vector.broadcast %mul3A_159 : i32 to vector<16xi32>
        %add3A_161 = arith.addi %iota3A, %add3A_160 : vector<16xi32>
        %add3A_162 = arith.constant 16 : i32
        %add3A_163 = vector.broadcast %add3A_162 : i32 to vector<16xi32>
        %add3A_164 = arith.addi %add3A_161, %add3A_163 : vector<16xi32>
        %broadcast_in_dim3A = arith.constant 0 : i32
        %broadcast_in_dim3A_165 = vector.broadcast %broadcast_in_dim3A : i32 to vector<16xi32>
        %scan3A_166 = arith.constant 0 : i32
        %scan3A_167 = arith.constant 128 : i32
        %scan3A_168 = arith.addi %scan3A_166, %scan3A_167 : i32
        %scan3A_169 = arith.constant 8 : i32
        %scan3A_170 = scf.for %scan3A_172 = %scan3A_166 to %scan3A_168 step %scan3A_169 iter_args(%scan3A_173 = %broadcast_in_dim3A_165) -> (vector<16xi32>)  : i32 {
          %mul3A_174 = arith.constant 128 : i32
          %mul3A_175 = arith.muli %scan3A_151, %mul3A_174 : i32
          %add3A_176 = arith.addi %mul3A_175, %scan3A_172 : i32
          %get3A_177 = arith.index_cast %add3A_176 : i32 to index
          %get3A_178 = arith.constant 0 : index
          %get3A_179 = tpu.vector_load %arg12[%get3A_177, %get3A_178] {strides = array<i32>} : memref<512x32xf32, #tpu.memory_space<vmem>>, vector<16xf32>,
          %add3A_180 = arith.addf %get3A_179, %get3A_154 : vector<16xf32>
          %get3A_181 = arith.index_cast %add3A_176 : i32 to index
          %get3A_182 = arith.constant 16 : index
          %get3A_183 = tpu.vector_load %arg12[%get3A_181, %get3A_182] {strides = array<i32>} : memref<512x32xf32, #tpu.memory_space<vmem>>, vector<16xf32>,
          %add3A_184 = arith.addf %get3A_183, %get3A_157 : vector<16xf32>
          tpu.vector_store_idx %arg14[%add3A_161, %scan3A_173], %add3A_180 : memref<128x129xf32, #tpu.memory_space<vmem>>[vector<16xi32>, vector<16xi32>], vector<16xf32>,
          tpu.vector_store_idx %arg14[%add3A_164, %scan3A_173], %add3A_184 : memref<128x129xf32, #tpu.memory_space<vmem>>[vector<16xi32>, vector<16xi32>], vector<16xf32>,
          %add3A_185 = arith.constant 1 : i32
          %add3A_186 = vector.broadcast %add3A_185 : i32 to vector<16xi32>
          %add3A_187 = arith.addi %scan3A_173, %add3A_186 : vector<16xi32>
          %scan3A_188 = arith.constant 1 : i32
          %scan3A_189 = arith.addi %scan3A_172, %scan3A_188 : i32
          %mul3A_190 = arith.constant 128 : i32
          %mul3A_191 = arith.muli %scan3A_151, %mul3A_190 : i32
          %add3A_192 = arith.addi %mul3A_191, %scan3A_189 : i32
          %get3A_193 = arith.index_cast %add3A_192 : i32 to index
          %get3A_194 = arith.constant 0 : index
          %get3A_195 = tpu.vector_load %arg12[%get3A_193, %get3A_194] {strides = array<i32>} : memref<512x32xf32, #tpu.memory_space<vmem>>, vector<16xf32>,
          %add3A_196 = arith.addf %get3A_195, %get3A_154 : vector<16xf32>
          %get3A_197 = arith.index_cast %add3A_192 : i32 to index
          %get3A_198 = arith.constant 16 : index
          %get3A_199 = tpu.vector_load %arg12[%get3A_197, %get3A_198] {strides = array<i32>} : memref<512x32xf32, #tpu.memory_space<vmem>>, vector<16xf32>,
          %add3A_200 = arith.addf %get3A_199, %get3A_157 : vector<16xf32>
          tpu.vector_store_idx %arg14[%add3A_161, %add3A_187], %add3A_196 : memref<128x129xf32, #tpu.memory_space<vmem>>[vector<16xi32>, vector<16xi32>], vector<16xf32>,
          tpu.vector_store_idx %arg14[%add3A_164, %add3A_187], %add3A_200 : memref<128x129xf32, #tpu.memory_space<vmem>>[vector<16xi32>, vector<16xi32>], vector<16xf32>,
          %add3A_201 = arith.constant 1 : i32
          %add3A_202 = vector.broadcast %add3A_201 : i32 to vector<16xi32>
          %add3A_203 = arith.addi %add3A_187, %add3A_202 : vector<16xi32>
          %scan3A_204 = arith.constant 2 : i32
          %scan3A_205 = arith.addi %scan3A_172, %scan3A_204 : i32
          %mul3A_206 = arith.constant 128 : i32
          %mul3A_207 = arith.muli %scan3A_151, %mul3A_206 : i32
          %add3A_208 = arith.addi %mul3A_207, %scan3A_205 : i32
          %get3A_209 = arith.index_cast %add3A_208 : i32 to index
          %get3A_210 = arith.constant 0 : index
          %get3A_211 = tpu.vector_load %arg12[%get3A_209, %get3A_210] {strides = array<i32>} : memref<512x32xf32, #tpu.memory_space<vmem>>, vector<16xf32>,
          %add3A_212 = arith.addf %get3A_211, %get3A_154 : vector<16xf32>
          %get3A_213 = arith.index_cast %add3A_208 : i32 to index
          %get3A_214 = arith.constant 16 : index
          %get3A_215 = tpu.vector_load %arg12[%get3A_213, %get3A_214] {strides = array<i32>} : memref<512x32xf32, #tpu.memory_space<vmem>>, vector<16xf32>,
          %add3A_216 = arith.addf %get3A_215, %get3A_157 : vector<16xf32>
          tpu.vector_store_idx %arg14[%add3A_161, %add3A_203], %add3A_212 : memref<128x129xf32, #tpu.memory_space<vmem>>[vector<16xi32>, vector<16xi32>], vector<16xf32>,
          tpu.vector_store_idx %arg14[%add3A_164, %add3A_203], %add3A_216 : memref<128x129xf32, #tpu.memory_space<vmem>>[vector<16xi32>, vector<16xi32>], vector<16xf32>,
          %add3A_217 = arith.constant 1 : i32
          %add3A_218 = vector.broadcast %add3A_217 : i32 to vector<16xi32>
          %add3A_219 = arith.addi %add3A_203, %add3A_218 : vector<16xi32>
          %scan3A_220 = arith.constant 3 : i32
          %scan3A_221 = arith.addi %scan3A_172, %scan3A_220 : i32
          %mul3A_222 = arith.constant 128 : i32
          %mul3A_223 = arith.muli %scan3A_151, %mul3A_222 : i32
          %add3A_224 = arith.addi %mul3A_223, %scan3A_221 : i32
          %get3A_225 = arith.index_cast %add3A_224 : i32 to index
          %get3A_226 = arith.constant 0 : index
          %get3A_227 = tpu.vector_load %arg12[%get3A_225, %get3A_226] {strides = array<i32>} : memref<512x32xf32, #tpu.memory_space<vmem>>, vector<16xf32>,
          %add3A_228 = arith.addf %get3A_227, %get3A_154 : vector<16xf32>
          %get3A_229 = arith.index_cast %add3A_224 : i32 to index
          %get3A_230 = arith.constant 16 : index
          %get3A_231 = tpu.vector_load %arg12[%get3A_229, %get3A_230] {strides = array<i32>} : memref<512x32xf32, #tpu.memory_space<vmem>>, vector<16xf32>,
          %add3A_232 = arith.addf %get3A_231, %get3A_157 : vector<16xf32>
          tpu.vector_store_idx %arg14[%add3A_161, %add3A_219], %add3A_228 : memref<128x129xf32, #tpu.memory_space<vmem>>[vector<16xi32>, vector<16xi32>], vector<16xf32>,
          tpu.vector_store_idx %arg14[%add3A_164, %add3A_219], %add3A_232 : memref<128x129xf32, #tpu.memory_space<vmem>>[vector<16xi32>, vector<16xi32>], vector<16xf32>,
          %add3A_233 = arith.constant 1 : i32
          %add3A_234 = vector.broadcast %add3A_233 : i32 to vector<16xi32>
          %add3A_235 = arith.addi %add3A_219, %add3A_234 : vector<16xi32>
          %scan3A_236 = arith.constant 4 : i32
          %scan3A_237 = arith.addi %scan3A_172, %scan3A_236 : i32
          %mul3A_238 = arith.constant 128 : i32
          %mul3A_239 = arith.muli %scan3A_151, %mul3A_238 : i32
          %add3A_240 = arith.addi %mul3A_239, %scan3A_237 : i32
          %get3A_241 = arith.index_cast %add3A_240 : i32 to index
          %get3A_242 = arith.constant 0 : index
          %get3A_243 = tpu.vector_load %arg12[%get3A_241, %get3A_242] {strides = array<i32>} : memref<512x32xf32, #tpu.memory_space<vmem>>, vector<16xf32>,
          %add3A_244 = arith.addf %get3A_243, %get3A_154 : vector<16xf32>
          %get3A_245 = arith.index_cast %add3A_240 : i32 to index
          %get3A_246 = arith.constant 16 : index
          %get3A_247 = tpu.vector_load %arg12[%get3A_245, %get3A_246] {strides = array<i32>} : memref<512x32xf32, #tpu.memory_space<vmem>>, vector<16xf32>,
          %add3A_248 = arith.addf %get3A_247, %get3A_157 : vector<16xf32>
          tpu.vector_store_idx %arg14[%add3A_161, %add3A_235], %add3A_244 : memref<128x129xf32, #tpu.memory_space<vmem>>[vector<16xi32>, vector<16xi32>], vector<16xf32>,
          tpu.vector_store_idx %arg14[%add3A_164, %add3A_235], %add3A_248 : memref<128x129xf32, #tpu.memory_space<vmem>>[vector<16xi32>, vector<16xi32>], vector<16xf32>,
          %add3A_249 = arith.constant 1 : i32
          %add3A_250 = vector.broadcast %add3A_249 : i32 to vector<16xi32>
          %add3A_251 = arith.addi %add3A_235, %add3A_250 : vector<16xi32>
          %scan3A_252 = arith.constant 5 : i32
          %scan3A_253 = arith.addi %scan3A_172, %scan3A_252 : i32
          %mul3A_254 = arith.constant 128 : i32
          %mul3A_255 = arith.muli %scan3A_151, %mul3A_254 : i32
          %add3A_256 = arith.addi %mul3A_255, %scan3A_253 : i32
          %get3A_257 = arith.index_cast %add3A_256 : i32 to index
          %get3A_258 = arith.constant 0 : index
          %get3A_259 = tpu.vector_load %arg12[%get3A_257, %get3A_258] {strides = array<i32>} : memref<512x32xf32, #tpu.memory_space<vmem>>, vector<16xf32>,
          %add3A_260 = arith.addf %get3A_259, %get3A_154 : vector<16xf32>
          %get3A_261 = arith.index_cast %add3A_256 : i32 to index
          %get3A_262 = arith.constant 16 : index
          %get3A_263 = tpu.vector_load %arg12[%get3A_261, %get3A_262] {strides = array<i32>} : memref<512x32xf32, #tpu.memory_space<vmem>>, vector<16xf32>,
          %add3A_264 = arith.addf %get3A_263, %get3A_157 : vector<16xf32>
          tpu.vector_store_idx %arg14[%add3A_161, %add3A_251], %add3A_260 : memref<128x129xf32, #tpu.memory_space<vmem>>[vector<16xi32>, vector<16xi32>], vector<16xf32>,
          tpu.vector_store_idx %arg14[%add3A_164, %add3A_251], %add3A_264 : memref<128x129xf32, #tpu.memory_space<vmem>>[vector<16xi32>, vector<16xi32>], vector<16xf32>,
          %add3A_265 = arith.constant 1 : i32
          %add3A_266 = vector.broadcast %add3A_265 : i32 to vector<16xi32>
          %add3A_267 = arith.addi %add3A_251, %add3A_266 : vector<16xi32>
          %scan3A_268 = arith.constant 6 : i32
          %scan3A_269 = arith.addi %scan3A_172, %scan3A_268 : i32
          %mul3A_270 = arith.constant 128 : i32
          %mul3A_271 = arith.muli %scan3A_151, %mul3A_270 : i32
          %add3A_272 = arith.addi %mul3A_271, %scan3A_269 : i32
          %get3A_273 = arith.index_cast %add3A_272 : i32 to index
          %get3A_274 = arith.constant 0 : index
          %get3A_275 = tpu.vector_load %arg12[%get3A_273, %get3A_274] {strides = array<i32>} : memref<512x32xf32, #tpu.memory_space<vmem>>, vector<16xf32>,
          %add3A_276 = arith.addf %get3A_275, %get3A_154 : vector<16xf32>
          %get3A_277 = arith.index_cast %add3A_272 : i32 to index
          %get3A_278 = arith.constant 16 : index
          %get3A_279 = tpu.vector_load %arg12[%get3A_277, %get3A_278] {strides = array<i32>} : memref<512x32xf32, #tpu.memory_space<vmem>>, vector<16xf32>,
          %add3A_280 = arith.addf %get3A_279, %get3A_157 : vector<16xf32>
          tpu.vector_store_idx %arg14[%add3A_161, %add3A_267], %add3A_276 : memref<128x129xf32, #tpu.memory_space<vmem>>[vector<16xi32>, vector<16xi32>], vector<16xf32>,
          tpu.vector_store_idx %arg14[%add3A_164, %add3A_267], %add3A_280 : memref<128x129xf32, #tpu.memory_space<vmem>>[vector<16xi32>, vector<16xi32>], vector<16xf32>,
          %add3A_281 = arith.constant 1 : i32
          %add3A_282 = vector.broadcast %add3A_281 : i32 to vector<16xi32>
          %add3A_283 = arith.addi %add3A_267, %add3A_282 : vector<16xi32>
          %scan3A_284 = arith.constant 7 : i32
          %scan3A_285 = arith.addi %scan3A_172, %scan3A_284 : i32
          %mul3A_286 = arith.constant 128 : i32
          %mul3A_287 = arith.muli %scan3A_151, %mul3A_286 : i32
          %add3A_288 = arith.addi %mul3A_287, %scan3A_285 : i32
          %get3A_289 = arith.index_cast %add3A_288 : i32 to index
          %get3A_290 = arith.constant 0 : index
          %get3A_291 = tpu.vector_load %arg12[%get3A_289, %get3A_290] {strides = array<i32>} : memref<512x32xf32, #tpu.memory_space<vmem>>, vector<16xf32>,
          %add3A_292 = arith.addf %get3A_291, %get3A_154 : vector<16xf32>
          %get3A_293 = arith.index_cast %add3A_288 : i32 to index
          %get3A_294 = arith.constant 16 : index
          %get3A_295 = tpu.vector_load %arg12[%get3A_293, %get3A_294] {strides = array<i32>} : memref<512x32xf32, #tpu.memory_space<vmem>>, vector<16xf32>,
          %add3A_296 = arith.addf %get3A_295, %get3A_157 : vector<16xf32>
          tpu.vector_store_idx %arg14[%add3A_161, %add3A_283], %add3A_292 : memref<128x129xf32, #tpu.memory_space<vmem>>[vector<16xi32>, vector<16xi32>], vector<16xf32>,
          tpu.vector_store_idx %arg14[%add3A_164, %add3A_283], %add3A_296 : memref<128x129xf32, #tpu.memory_space<vmem>>[vector<16xi32>, vector<16xi32>], vector<16xf32>,
          %add3A_297 = arith.constant 1 : i32
          %add3A_298 = vector.broadcast %add3A_297 : i32 to vector<16xi32>
          %add3A_299 = arith.addi %add3A_283, %add3A_298 : vector<16xi32>
          scf.yield %add3A_299 : vector<16xi32>
        }
        %scan3A_171 = arith.constant 128 : i32
      }
      %scan3A_144 = arith.constant 4 : i32
      %scan3A_145 = arith.constant 0 : i32
      %scan3A_146 = arith.constant 0 : i32
      %scan3A_147 = arith.constant 16 : i32
      %scan3A_148 = arith.addi %scan3A_146, %scan3A_147 : i32
      %scan3A_149 = arith.constant 1 : i32
      scf.for %scan3A_151 = %scan3A_146 to %scan3A_148 step %scan3A_149  : i32 {
        %shift_right_logical3A_152 = arith.constant 2 : i32
        %shift_right_logical3A_153 = arith.shrui %scan3A_151, %shift_right_logical3A_152 : i32
        %and3A_154 = arith.constant 3 : i32
        %and3A_155 = arith.andi %scan3A_151, %and3A_154 : i32
        %add3A_156 = arith.addi %add3A_138, %shift_right_logical3A_153 : i32
        %mul3A_157 = arith.constant 8 : i32
        %mul3A_158 = arith.muli %scan3A_151, %mul3A_157 : i32
        %dma_start3A_159 = arith.constant 0 : i32
        %dma_start3A_160 = tpu.memref_slice %arg14[%mul3A_158, %dma_start3A_159] : memref<128x129xf32, #tpu.memory_space<vmem>> -> memref<8x128xf32, #tpu.memory_space<vmem>>
        %dma_start3A_161 = arith.constant 0 : i32
        %dma_start3A_162 = arith.constant 0 : i32
        %dma_start3A_163 = tpu.memref_slice %arg5[%add3A_156, %and3A_155, %and3A_131, %dma_start3A_161, %dma_start3A_162] : memref<200x4x32x8x128xf32, #tpu.memory_space<hbm>> -> memref<1x1x1x8x128xf32, #tpu.memory_space<hbm>>
        %dma_start3A_164 = tpu.memref_squeeze %dma_start3A_163 : memref<1x1x1x8x128xf32, #tpu.memory_space<hbm>> -> memref<8x128xf32, #tpu.memory_space<hbm>>
        %dma_start3A_165 = arith.constant 0 : i32
        %dma_start3A_166 = arith.constant 0 : i32
        %dma_start3A_167 = tpu.memref_slice %arg5[%add3A_156, %and3A_155, %and3A_131, %dma_start3A_165, %dma_start3A_166] : memref<200x4x32x8x128xf32, #tpu.memory_space<hbm>> -> memref<1x1x1x8x128xf32, #tpu.memory_space<hbm>>
        %dma_start3A_168 = tpu.memref_squeeze %dma_start3A_167 : memref<1x1x1x8x128xf32, #tpu.memory_space<hbm>> -> memref<8x128xf32, #tpu.memory_space<hbm>>
        %dma_start3A_169 = arith.constant 0 : i32
        %dma_start3A_170 = tpu.memref_slice %arg14[%mul3A_158, %dma_start3A_169] : memref<128x129xf32, #tpu.memory_space<vmem>> -> memref<8x128xf32, #tpu.memory_space<vmem>>
        tpu.enqueue_dma source(%dma_start3A_170 : memref<8x128xf32, #tpu.memory_space<vmem>>) target(%dma_start3A_168 : memref<8x128xf32, #tpu.memory_space<hbm>>) target_semaphore(%arg18 : memref<!tpu.dma_semaphore, #tpu.memory_space<semaphore_mem>>)
      }
      %scan3A_150 = arith.constant 16 : i32
    }
    %scan3A_21 = arith.constant 25 : i32
    %dma_wait3A = arith.constant 0 : i32
    %dma_wait3A_22 = arith.constant 0 : i32
    %dma_wait3A_23 = tpu.memref_slice %arg2[%dma_wait3A, %dma_wait3A_22] : memref<1015808x32xf32, #tpu.memory_space<hbm>> -> memref<512x32xf32, #tpu.memory_space<hbm>>
    %dma_wait3A_24 = arith.constant 0 : i32
    %dma_wait3A_25 = arith.constant 0 : i32
    %dma_wait3A_26 = tpu.memref_slice %arg2[%dma_wait3A_24, %dma_wait3A_25] : memref<1015808x32xf32, #tpu.memory_space<hbm>> -> memref<512x32xf32, #tpu.memory_space<hbm>>
    tpu.wait_dma2 semaphore(%arg15 : memref<!tpu.dma_semaphore, #tpu.memory_space<semaphore_mem>>) src(%dma_wait3A_26 : memref<512x32xf32, #tpu.memory_space<hbm>>) dst(%arg11 : memref<512x32xf32, #tpu.memory_space<vmem>>)
    %scan3A_27 = arith.constant 0 : i32
    %scan3A_28 = arith.constant 0 : i32
    %scan3A_29 = arith.constant 16 : i32
    %scan3A_30 = arith.addi %scan3A_28, %scan3A_29 : i32
    %scan3A_31 = arith.constant 1 : i32
    scf.for %scan3A_39 = %scan3A_28 to %scan3A_30 step %scan3A_31  : i32 {
      %dma_wait3A_40 = arith.constant 0 : i32
      %dma_wait3A_41 = arith.constant 0 : i32
      %dma_wait3A_42 = arith.constant 0 : i32
      %dma_wait3A_43 = arith.constant 0 : i32
      %dma_wait3A_44 = arith.constant 0 : i32
      %dma_wait3A_45 = tpu.memref_slice %arg13[%dma_wait3A_43, %dma_wait3A_44] : memref<128x129xf32, #tpu.memory_space<vmem>> -> memref<8x128xf32, #tpu.memory_space<vmem>>
      %dma_wait3A_46 = arith.constant 0 : i32
      %dma_wait3A_47 = arith.constant 0 : i32
      %dma_wait3A_48 = tpu.memref_slice %arg5[%dma_wait3A_40, %dma_wait3A_41, %dma_wait3A_42, %dma_wait3A_46, %dma_wait3A_47] : memref<200x4x32x8x128xf32, #tpu.memory_space<hbm>> -> memref<1x1x1x8x128xf32, #tpu.memory_space<hbm>>
      %dma_wait3A_49 = tpu.memref_squeeze %dma_wait3A_48 : memref<1x1x1x8x128xf32, #tpu.memory_space<hbm>> -> memref<8x128xf32, #tpu.memory_space<hbm>>
      %dma_wait3A_50 = arith.constant 0 : i32
      %dma_wait3A_51 = arith.constant 0 : i32
      %dma_wait3A_52 = tpu.memref_slice %arg5[%dma_wait3A_40, %dma_wait3A_41, %dma_wait3A_42, %dma_wait3A_50, %dma_wait3A_51] : memref<200x4x32x8x128xf32, #tpu.memory_space<hbm>> -> memref<1x1x1x8x128xf32, #tpu.memory_space<hbm>>
      %dma_wait3A_53 = tpu.memref_squeeze %dma_wait3A_52 : memref<1x1x1x8x128xf32, #tpu.memory_space<hbm>> -> memref<8x128xf32, #tpu.memory_space<hbm>>
      %dma_wait3A_54 = arith.constant 0 : i32
      %dma_wait3A_55 = arith.constant 0 : i32
      %dma_wait3A_56 = tpu.memref_slice %arg13[%dma_wait3A_54, %dma_wait3A_55] : memref<128x129xf32, #tpu.memory_space<vmem>> -> memref<8x128xf32, #tpu.memory_space<vmem>>
      tpu.wait_dma2 semaphore(%arg17 : memref<!tpu.dma_semaphore, #tpu.memory_space<semaphore_mem>>) src(%dma_wait3A_56 : memref<8x128xf32, #tpu.memory_space<vmem>>) dst(%dma_wait3A_53 : memref<8x128xf32, #tpu.memory_space<hbm>>)
    }
    %scan3A_32 = arith.constant 16 : i32
    %scan3A_33 = arith.constant 0 : i32
    %scan3A_34 = arith.constant 0 : i32
    %scan3A_35 = arith.constant 16 : i32
    %scan3A_36 = arith.addi %scan3A_34, %scan3A_35 : i32
    %scan3A_37 = arith.constant 1 : i32
    scf.for %scan3A_39 = %scan3A_34 to %scan3A_36 step %scan3A_37  : i32 {
      %dma_wait3A_40 = arith.constant 0 : i32
      %dma_wait3A_41 = arith.constant 0 : i32
      %dma_wait3A_42 = arith.constant 0 : i32
      %dma_wait3A_43 = arith.constant 0 : i32
      %dma_wait3A_44 = arith.constant 0 : i32
      %dma_wait3A_45 = tpu.memref_slice %arg14[%dma_wait3A_43, %dma_wait3A_44] : memref<128x129xf32, #tpu.memory_space<vmem>> -> memref<8x128xf32, #tpu.memory_space<vmem>>
      %dma_wait3A_46 = arith.constant 0 : i32
      %dma_wait3A_47 = arith.constant 0 : i32
      %dma_wait3A_48 = tpu.memref_slice %arg5[%dma_wait3A_40, %dma_wait3A_41, %dma_wait3A_42, %dma_wait3A_46, %dma_wait3A_47] : memref<200x4x32x8x128xf32, #tpu.memory_space<hbm>> -> memref<1x1x1x8x128xf32, #tpu.memory_space<hbm>>
      %dma_wait3A_49 = tpu.memref_squeeze %dma_wait3A_48 : memref<1x1x1x8x128xf32, #tpu.memory_space<hbm>> -> memref<8x128xf32, #tpu.memory_space<hbm>>
      %dma_wait3A_50 = arith.constant 0 : i32
      %dma_wait3A_51 = arith.constant 0 : i32
      %dma_wait3A_52 = tpu.memref_slice %arg5[%dma_wait3A_40, %dma_wait3A_41, %dma_wait3A_42, %dma_wait3A_50, %dma_wait3A_51] : memref<200x4x32x8x128xf32, #tpu.memory_space<hbm>> -> memref<1x1x1x8x128xf32, #tpu.memory_space<hbm>>
      %dma_wait3A_53 = tpu.memref_squeeze %dma_wait3A_52 : memref<1x1x1x8x128xf32, #tpu.memory_space<hbm>> -> memref<8x128xf32, #tpu.memory_space<hbm>>
      %dma_wait3A_54 = arith.constant 0 : i32
      %dma_wait3A_55 = arith.constant 0 : i32
      %dma_wait3A_56 = tpu.memref_slice %arg14[%dma_wait3A_54, %dma_wait3A_55] : memref<128x129xf32, #tpu.memory_space<vmem>> -> memref<8x128xf32, #tpu.memory_space<vmem>>
      tpu.wait_dma2 semaphore(%arg18 : memref<!tpu.dma_semaphore, #tpu.memory_space<semaphore_mem>>) src(%dma_wait3A_56 : memref<8x128xf32, #tpu.memory_space<vmem>>) dst(%dma_wait3A_53 : memref<8x128xf32, #tpu.memory_space<hbm>>)
    }
    %scan3A_38 = arith.constant 16 : i32
    return
  }
}

module attributes {stable_mosaic.version = 14 : i64} {
  func.func @_tc_body(%arg0: i32, %arg1: memref<32x16384xf32, #tpu.memory_space<vmem>>, %arg2: memref<4x32x128xf32, #tpu.memory_space<vmem>>, %arg3: memref<4096x128xf32, #tpu.memory_space<vmem>>) attributes {dimension_semantics = [#tpu.dimension_semantics<arbitrary>], iteration_bounds = array<i64: 62>, scalar_prefetch = 0 : i64, scratch_operands = 0 : i64, tpu.core_type = #tpu.core_type<tc>, window_params = [{transform_indices = @transform_0, window_bounds = array<i64: 32, 16384>}, {pipeline_mode = #tpu.pipeline_mode<synchronous>, transform_indices = @transform_1, window_bounds = array<i64: 4, 32, 128>}, {transform_indices = @transform_2, window_bounds = array<i64: 4096, 128>}]} {
    %ne3A = arith.constant 61 : i32
    %ne3A_0 = arith.cmpi ne, %arg0, %ne3A : i32
    %convert_element_type3A = arith.extui %ne3A_0 : i1 to i32
    %cond3A = arith.constant 0 : i32
    %cond3A_1 = arith.cmpi ne, %convert_element_type3A, %cond3A : i32
    scf.if %cond3A_1 {
      %get3A = arith.constant 0 : index
      %get3A_6 = arith.constant 0 : index
      %get3A_7 = vector.load %arg1[%get3A, %get3A_6] : memref<32x16384xf32, #tpu.memory_space<vmem>>, vector<32x16384xf32>
      %broadcast_in_dim3A = arith.constant 0.000000e+00 : f32
      %broadcast_in_dim3A_8 = vector.broadcast %broadcast_in_dim3A : f32 to vector<4096x128xf32>
      %slice3A = vector.extract_strided_slice %get3A_7 {offsets = [0, 0], sizes = [32, 4096], strides = [1, 1]} : vector<32x16384xf32> to vector<32x4096xf32>
      %get3A_9 = arith.constant 0 : index
      %get3A_10 = arith.constant 0 : index
      %get3A_11 = arith.constant 0 : index
      %get3A_12 = vector.load %arg2[%get3A_9, %get3A_10, %get3A_11] : memref<4x32x128xf32, #tpu.memory_space<vmem>>, vector<1x32x128xf32>
      %get3A_13 = vector.shape_cast %get3A_12 : vector<1x32x128xf32> to vector<32x128xf32>
      %dot_general3A = arith.constant dense<0.000000e+00> : vector<4096x128xf32>
      %dot_general3A_14 = tpu.matmul %slice3A, %get3A_13, %dot_general3A {dimension_numbers = #tpu.dot_dimension_numbers<[0], [0], [1], [1], [0, 1, 1, 1], [], []>, transpose_lhs_hint = false} : vector<32x4096xf32>, vector<32x128xf32>, vector<4096x128xf32> -> vector<4096x128xf32>
      %add3A = arith.addf %broadcast_in_dim3A_8, %dot_general3A_14 : vector<4096x128xf32>
      %slice3A_15 = vector.extract_strided_slice %get3A_7 {offsets = [0, 4096], sizes = [32, 4096], strides = [1, 1]} : vector<32x16384xf32> to vector<32x4096xf32>
      %get3A_16 = arith.constant 1 : index
      %get3A_17 = arith.constant 0 : index
      %get3A_18 = arith.constant 0 : index
      %get3A_19 = vector.load %arg2[%get3A_16, %get3A_17, %get3A_18] : memref<4x32x128xf32, #tpu.memory_space<vmem>>, vector<1x32x128xf32>
      %get3A_20 = vector.shape_cast %get3A_19 : vector<1x32x128xf32> to vector<32x128xf32>
      %dot_general3A_21 = arith.constant dense<0.000000e+00> : vector<4096x128xf32>
      %dot_general3A_22 = tpu.matmul %slice3A_15, %get3A_20, %dot_general3A_21 {dimension_numbers = #tpu.dot_dimension_numbers<[0], [0], [1], [1], [0, 1, 1, 1], [], []>, transpose_lhs_hint = false} : vector<32x4096xf32>, vector<32x128xf32>, vector<4096x128xf32> -> vector<4096x128xf32>
      %add3A_23 = arith.addf %add3A, %dot_general3A_22 : vector<4096x128xf32>
      %slice3A_24 = vector.extract_strided_slice %get3A_7 {offsets = [0, 8192], sizes = [32, 4096], strides = [1, 1]} : vector<32x16384xf32> to vector<32x4096xf32>
      %get3A_25 = arith.constant 2 : index
      %get3A_26 = arith.constant 0 : index
      %get3A_27 = arith.constant 0 : index
      %get3A_28 = vector.load %arg2[%get3A_25, %get3A_26, %get3A_27] : memref<4x32x128xf32, #tpu.memory_space<vmem>>, vector<1x32x128xf32>
      %get3A_29 = vector.shape_cast %get3A_28 : vector<1x32x128xf32> to vector<32x128xf32>
      %dot_general3A_30 = arith.constant dense<0.000000e+00> : vector<4096x128xf32>
      %dot_general3A_31 = tpu.matmul %slice3A_24, %get3A_29, %dot_general3A_30 {dimension_numbers = #tpu.dot_dimension_numbers<[0], [0], [1], [1], [0, 1, 1, 1], [], []>, transpose_lhs_hint = false} : vector<32x4096xf32>, vector<32x128xf32>, vector<4096x128xf32> -> vector<4096x128xf32>
      %add3A_32 = arith.addf %add3A_23, %dot_general3A_31 : vector<4096x128xf32>
      %slice3A_33 = vector.extract_strided_slice %get3A_7 {offsets = [0, 12288], sizes = [32, 4096], strides = [1, 1]} : vector<32x16384xf32> to vector<32x4096xf32>
      %get3A_34 = arith.constant 3 : index
      %get3A_35 = arith.constant 0 : index
      %get3A_36 = arith.constant 0 : index
      %get3A_37 = vector.load %arg2[%get3A_34, %get3A_35, %get3A_36] : memref<4x32x128xf32, #tpu.memory_space<vmem>>, vector<1x32x128xf32>
      %get3A_38 = vector.shape_cast %get3A_37 : vector<1x32x128xf32> to vector<32x128xf32>
      %dot_general3A_39 = arith.constant dense<0.000000e+00> : vector<4096x128xf32>
      %dot_general3A_40 = tpu.matmul %slice3A_33, %get3A_38, %dot_general3A_39 {dimension_numbers = #tpu.dot_dimension_numbers<[0], [0], [1], [1], [0, 1, 1, 1], [], []>, transpose_lhs_hint = false} : vector<32x4096xf32>, vector<32x128xf32>, vector<4096x128xf32> -> vector<4096x128xf32>
      %add3A_41 = arith.addf %add3A_32, %dot_general3A_40 : vector<4096x128xf32>
      %swap3A = arith.constant 0 : index
      %swap3A_42 = arith.constant 0 : index
      %swap3A_43 = vector.load %arg3[%swap3A, %swap3A_42] : memref<4096x128xf32, #tpu.memory_space<vmem>>, vector<4096x128xf32>
      tpu.vector_store %arg3[%swap3A, %swap3A_42], %add3A_41 {strides = array<i32>} : memref<4096x128xf32, #tpu.memory_space<vmem>>, vector<4096x128xf32>,
    } else {
    }
    %eq3A = arith.constant 61 : i32
    %eq3A_2 = arith.cmpi eq, %arg0, %eq3A : i32
    %convert_element_type3A_3 = arith.extui %eq3A_2 : i1 to i32
    %cond3A_4 = arith.constant 0 : i32
    %cond3A_5 = arith.cmpi ne, %convert_element_type3A_3, %cond3A_4 : i32
    scf.if %cond3A_5 {
      %mul3A = arith.constant 16384 : i32
      %mul3A_6 = arith.muli %arg0, %mul3A : i32
      %iota3A = tpu.iota {dimensions = array<i32: 1>} : vector<32x16384xi32>
      %add3A = vector.broadcast %mul3A_6 : i32 to vector<32x16384xi32>
      %add3A_7 = arith.addi %add3A, %iota3A : vector<32x16384xi32>
      %lt3A = arith.constant 1000000 : i32
      %lt3A_8 = vector.broadcast %lt3A : i32 to vector<32x16384xi32>
      %lt3A_9 = arith.cmpi slt, %add3A_7, %lt3A_8 : vector<32x16384xi32>
      %get3A = arith.constant 0 : index
      %get3A_10 = arith.constant 0 : index
      %get3A_11 = vector.load %arg1[%get3A, %get3A_10] : memref<32x16384xf32, #tpu.memory_space<vmem>>, vector<32x16384xf32>
      %jit3A = arith.constant 0.000000e+00 : f32
      %broadcast_in_dim3A = vector.broadcast %jit3A : f32 to vector<32x16384xf32>
      %select_n3A = arith.select %lt3A_9, %get3A_11, %broadcast_in_dim3A : vector<32x16384xi1>, vector<32x16384xf32>
      %broadcast_in_dim3A_12 = arith.constant 0.000000e+00 : f32
      %broadcast_in_dim3A_13 = vector.broadcast %broadcast_in_dim3A_12 : f32 to vector<4096x128xf32>
      %slice3A = vector.extract_strided_slice %select_n3A {offsets = [0, 0], sizes = [32, 4096], strides = [1, 1]} : vector<32x16384xf32> to vector<32x4096xf32>
      %get3A_14 = arith.constant 0 : index
      %get3A_15 = arith.constant 0 : index
      %get3A_16 = arith.constant 0 : index
      %get3A_17 = vector.load %arg2[%get3A_14, %get3A_15, %get3A_16] : memref<4x32x128xf32, #tpu.memory_space<vmem>>, vector<1x32x128xf32>
      %get3A_18 = vector.shape_cast %get3A_17 : vector<1x32x128xf32> to vector<32x128xf32>
      %dot_general3A = arith.constant dense<0.000000e+00> : vector<4096x128xf32>
      %dot_general3A_19 = tpu.matmul %slice3A, %get3A_18, %dot_general3A {dimension_numbers = #tpu.dot_dimension_numbers<[0], [0], [1], [1], [0, 1, 1, 1], [], []>, transpose_lhs_hint = false} : vector<32x4096xf32>, vector<32x128xf32>, vector<4096x128xf32> -> vector<4096x128xf32>
      %add3A_20 = arith.addf %broadcast_in_dim3A_13, %dot_general3A_19 : vector<4096x128xf32>
      %slice3A_21 = vector.extract_strided_slice %select_n3A {offsets = [0, 4096], sizes = [32, 4096], strides = [1, 1]} : vector<32x16384xf32> to vector<32x4096xf32>
      %get3A_22 = arith.constant 1 : index
      %get3A_23 = arith.constant 0 : index
      %get3A_24 = arith.constant 0 : index
      %get3A_25 = vector.load %arg2[%get3A_22, %get3A_23, %get3A_24] : memref<4x32x128xf32, #tpu.memory_space<vmem>>, vector<1x32x128xf32>
      %get3A_26 = vector.shape_cast %get3A_25 : vector<1x32x128xf32> to vector<32x128xf32>
      %dot_general3A_27 = arith.constant dense<0.000000e+00> : vector<4096x128xf32>
      %dot_general3A_28 = tpu.matmul %slice3A_21, %get3A_26, %dot_general3A_27 {dimension_numbers = #tpu.dot_dimension_numbers<[0], [0], [1], [1], [0, 1, 1, 1], [], []>, transpose_lhs_hint = false} : vector<32x4096xf32>, vector<32x128xf32>, vector<4096x128xf32> -> vector<4096x128xf32>
      %add3A_29 = arith.addf %add3A_20, %dot_general3A_28 : vector<4096x128xf32>
      %slice3A_30 = vector.extract_strided_slice %select_n3A {offsets = [0, 8192], sizes = [32, 4096], strides = [1, 1]} : vector<32x16384xf32> to vector<32x4096xf32>
      %get3A_31 = arith.constant 2 : index
      %get3A_32 = arith.constant 0 : index
      %get3A_33 = arith.constant 0 : index
      %get3A_34 = vector.load %arg2[%get3A_31, %get3A_32, %get3A_33] : memref<4x32x128xf32, #tpu.memory_space<vmem>>, vector<1x32x128xf32>
      %get3A_35 = vector.shape_cast %get3A_34 : vector<1x32x128xf32> to vector<32x128xf32>
      %dot_general3A_36 = arith.constant dense<0.000000e+00> : vector<4096x128xf32>
      %dot_general3A_37 = tpu.matmul %slice3A_30, %get3A_35, %dot_general3A_36 {dimension_numbers = #tpu.dot_dimension_numbers<[0], [0], [1], [1], [0, 1, 1, 1], [], []>, transpose_lhs_hint = false} : vector<32x4096xf32>, vector<32x128xf32>, vector<4096x128xf32> -> vector<4096x128xf32>
      %add3A_38 = arith.addf %add3A_29, %dot_general3A_37 : vector<4096x128xf32>
      %slice3A_39 = vector.extract_strided_slice %select_n3A {offsets = [0, 12288], sizes = [32, 4096], strides = [1, 1]} : vector<32x16384xf32> to vector<32x4096xf32>
      %get3A_40 = arith.constant 3 : index
      %get3A_41 = arith.constant 0 : index
      %get3A_42 = arith.constant 0 : index
      %get3A_43 = vector.load %arg2[%get3A_40, %get3A_41, %get3A_42] : memref<4x32x128xf32, #tpu.memory_space<vmem>>, vector<1x32x128xf32>
      %get3A_44 = vector.shape_cast %get3A_43 : vector<1x32x128xf32> to vector<32x128xf32>
      %dot_general3A_45 = arith.constant dense<0.000000e+00> : vector<4096x128xf32>
      %dot_general3A_46 = tpu.matmul %slice3A_39, %get3A_44, %dot_general3A_45 {dimension_numbers = #tpu.dot_dimension_numbers<[0], [0], [1], [1], [0, 1, 1, 1], [], []>, transpose_lhs_hint = false} : vector<32x4096xf32>, vector<32x128xf32>, vector<4096x128xf32> -> vector<4096x128xf32>
      %add3A_47 = arith.addf %add3A_38, %dot_general3A_46 : vector<4096x128xf32>
      %swap3A = arith.constant 0 : index
      %swap3A_48 = arith.constant 0 : index
      %swap3A_49 = vector.load %arg3[%swap3A, %swap3A_48] : memref<4096x128xf32, #tpu.memory_space<vmem>>, vector<4096x128xf32>
      tpu.vector_store %arg3[%swap3A, %swap3A_48], %add3A_47 {strides = array<i32>} : memref<4096x128xf32, #tpu.memory_space<vmem>>, vector<4096x128xf32>,
    } else {
    }
    return
  }
  func.func @transform_0(%arg0: i32) -> (i32, i32) {
    %c0_i32 = arith.constant 0 : i32
    %c0_i32_0 = arith.constant 0 : i32
    return %c0_i32, %arg0 : i32, i32
  }
  func.func @transform_1(%arg0: i32) -> (i32, i32, i32) {
    %c0_i32 = arith.constant 0 : i32
    %c0_i32_0 = arith.constant 0 : i32
    %c0_i32_1 = arith.constant 0 : i32
    %c0_i32_2 = arith.constant 0 : i32
    return %c0_i32, %c0_i32_0, %c0_i32_1 : i32, i32, i32
  }
  func.func @transform_2(%arg0: i32) -> (i32, i32) {
    %c0_i32 = arith.constant 0 : i32
    %c0_i32_0 = arith.constant 0 : i32
    return %arg0, %c0_i32 : i32, i32
  }
}

</mosaic_0001>

<sc_bundles>
// kernel: _run.4.cloned.1.call-start
scs
__scs_entry_jumppad:
0x0: {  	(pc) =	sbr.rel $0x88, $3  }
0x1: {  	(tag) =	ssettag $0x0;
	lr =	simm.s32 $0x1  }
0x2: {  	[smem:$0x3F9F] =	sst lr;
	_ =	strace $0xD0000000  }
0x3: {  	_ = 	snop  }
0x4: {  	_ = 	snop  }
0x5: {  	_ = 	snop  }
0x6: {  	_ = 	snop  }
0x7: {  	_ = 	snop  }
__scs_overlays_trampoline_lowered:
0x8: {  	[smem:$0x3FAE] =	sst s0  }
0x9: {  	[smem:$0x3FAF] =	sst s1  }
0xa: {  	[smem:$0x3FB0] =	sst s2  }
0xb: {  	[smem:$0x3FB1] =	sst s3  }
0xc: {  	[smem:$0x3FB2] =	sst s4  }
0xd: {  	[smem:$0x3FB3] =	sst s5  }
0xe: {  	[smem:$0x3FB4] =	sst s6  }
0xf: {  	[smem:$0x3FB5] =	sst s7  }
0x10: {  	[smem:$0x3FB6] =	sst s8  }
0x11: {  	[smem:$0x3FB7] =	sst s9;
	s0 =	simm.s32 @!p0 $0x0  }
0x12: {  	s1 =	sld [smem:$0x3F9D];
	s0 =	simm.s32 @p0 $0x1  }
0x13: {  	[smem:$0x3FB8] =	sst s0;
	s0 =	simm.s32 @!p1 $0x0  }
0x14: {  	s2 =	sld [smem:$0x3F9C];
	s0 =	simm.s32 @p1 $0x1  }
0x15: {  	[smem:$0x3FB9] =	sst s0;
	s0 =	simm.s32 @!p2 $0x0  }
0x16: {  	s3 =	sld [smem:$0x3FDB];
	s0 =	simm.s32 @p2 $0x1  }
0x17: {  	s4 =	simm.s32 $0x1BF5;
	[smem:$0x3FBB] =	sst s0  }
0x18: {  	s0 =	sld [smem:$0x3F9E];
	_ =	swait.ge [sflag:s4], $0x0  }
0x19: {  	s7 =	sld [smem:$0x3F9F]  }
0x1a: {  	s8 =	sadd.s32 $0xFFFFE003, lr  }
0x1b: {  	s9 =	sadd.s32 $0xFFFFFEF7, lr;
	s5 =	simm.s32 $0xFFFFFFFF;
	p2 =	slt.u32 s8, $0xFFFFF086  }
0x1c: {  	p1 =	slt.u32 s9, $0xF7A;
	s5 =	simm.s32 @!p2 $0x0  }
0x1d: {  	s5 =	simm.s32 @p1 $0x1;
	p0 =	seq.s32 s7, s2  }
0x1e: {  	s7 =	smul.u32 @!p0 $0xF7A, s2;
	p2 =	seq.s32 @!p0 s5, $0x0  }
0x1f: {  	s9 =	smul.u32 $0xF7A, s1;
	s8 =	simm.s32 @!p0 $0x1BF5;
	p2 =	por !p2, p0  }
0x20: {  	[sflag:s8] =	ssyncset.s32 @!p0 $0xFFFFF086;
	s6 =	sadd.s32 @!p0 s3, s7;
	s7 =	simm.s32 @!p0 $0x108  }
0x21: {  	s3 =	sadd.s32 s3, s9;
	s6 =	sadd.s32 @!p0 $0x88, s6;
	s7 =	simm.s32 @p2 $0x1082  }
0x22: {  	[simem:s7], [sflag:s8] =	dma.local @!p0 [hbm:s6], $0xF7A  }
0x23: {  	s9 =	sor.u32 $0xD0000000, s2;
	s6 =	simm.s32 $0x108;
	_ =	swait.ge @!p0 [sflag:s8], $0x0  }
0x24: {  	s3 =	sadd.s32 $0x88, s3;
	s6 =	simm.s32 @!p1 $0x1082;
	[sflag:s4] =	ssyncset.s32 $0xFFFFF086  }
0x25: {  	[simem:s6], [sflag:s4] =	dma.local [hbm:s3], $0xF7A  }
0x26: {  	[smem:$0x3F9F] =	sst s1;
	(tag) =	ssettag s2;
	_ =	strace s9  }
0x27: {  	s1 =	sld [smem:$0x3FAF]  }
0x28: {  	s2 =	sld [smem:$0x3FB0]  }
0x29: {  	s4 =	sld [smem:$0x3FB2]  }
0x2a: {  	p0 =	seq.s32 s5, $0x0;
	s5 =	sld [smem:$0x3FB3]  }
0x2b: {  	s6 =	sld [smem:$0x3FB4]  }
0x2c: {  	s7 =	sld [smem:$0x3FB5]  }
0x2d: {  	s3 =	simm.s32 $0x108;
	s8 =	sld [smem:$0x3FB6]  }
0x2e: {  	s3 =	simm.s32 @!p0 $0x1082;
	s9 =	sld [smem:$0x3FB7]  }
0x2f: {  	lr =	sadd.s32 s0, s3;
	s0 =	sld [smem:$0x3FAE]  }
0x30: {  	s3 =	sld [smem:$0x3FB1]  }
0x31: {  	[smem:$0x3FBA] =	sst s10  }
0x32: {  	s10 =	sld [smem:$0x3FB8];
	_ =	sdelay $0x3  }
0x33: {  	p0 =	seq.s32 s10, $0x1;
	s10 =	sld [smem:$0x3FBA];
	_ =	sdelay $0x3  }
0x34: {  	[smem:$0x3FBA] =	sst s10  }
0x35: {  	s10 =	sld [smem:$0x3FB9];
	_ =	sdelay $0x3  }
0x36: {  	p1 =	seq.s32 s10, $0x1;
	s10 =	sld [smem:$0x3FBA];
	_ =	sdelay $0x3  }
0x37: {  	[smem:$0x3FBA] =	sst s10  }
0x38: {  	s10 =	sld [smem:$0x3FBB]  }
0x39: {  	_ = 	snop;
	(pc) =	sbr.ind lr, $3  }
0x3a: {  	_ = 	snop  }
0x3b: {  	_ = 	snop  }
0x3c: {  	p2 =	seq.s32 s10, $0x1;
	s10 =	sld [smem:$0x3FBA]  }
0x3d: {  	_ =	shalt  }
0x3e: {  	_ =	shalt  }
0x3f: {  	_ =	shalt  }
0x40: {  	_ =	shalt  }
0x41: {  	_ =	shalt  }
0x42: {  	_ =	shalt  }
0x43: {  	_ =	shalt  }
0x44: {  	_ =	shalt  }
0x45: {  	_ =	shalt  }
0x46: {  	_ =	shalt  }
0x47: {  	_ =	shalt  }
0x48: {  	_ =	shalt  }
0x49: {  	_ =	shalt  }
0x4a: {  	_ =	shalt  }
0x4b: {  	_ =	shalt  }
0x4c: {  	_ =	shalt  }
0x4d: {  	_ =	shalt  }
0x4e: {  	_ =	shalt  }
0x4f: {  	_ =	shalt  }
0x50: {  	_ =	shalt  }
0x51: {  	_ =	shalt  }
0x52: {  	_ =	shalt  }
0x53: {  	_ =	shalt  }
0x54: {  	_ =	shalt  }
0x55: {  	_ =	shalt  }
0x56: {  	_ =	shalt  }
0x57: {  	_ =	shalt  }
0x58: {  	_ =	shalt  }
0x59: {  	_ =	shalt  }
0x5a: {  	_ =	shalt  }
0x5b: {  	_ =	shalt  }
0x5c: {  	_ =	shalt  }
0x5d: {  	_ =	shalt  }
0x5e: {  	_ =	shalt  }
0x5f: {  	_ =	shalt  }
0x60: {  	_ =	shalt  }
0x61: {  	_ =	shalt  }
0x62: {  	_ =	shalt  }
0x63: {  	_ =	shalt  }
0x64: {  	_ =	shalt  }
0x65: {  	_ =	shalt  }
0x66: {  	_ =	shalt  }
0x67: {  	_ =	shalt  }
0x68: {  	_ =	shalt  }
0x69: {  	_ =	shalt  }
0x6a: {  	_ =	shalt  }
0x6b: {  	_ =	shalt  }
0x6c: {  	_ =	shalt  }
0x6d: {  	_ =	shalt  }
0x6e: {  	_ =	shalt  }
0x6f: {  	_ =	shalt  }
0x70: {  	_ =	shalt  }
0x71: {  	_ =	shalt  }
0x72: {  	_ =	shalt  }
0x73: {  	_ =	shalt  }
0x74: {  	_ =	shalt  }
0x75: {  	_ =	shalt  }
0x76: {  	_ =	shalt  }
0x77: {  	_ =	shalt  }
0x78: {  	_ =	shalt  }
0x79: {  	_ =	shalt  }
0x7a: {  	_ =	shalt  }
0x7b: {  	_ =	shalt  }
0x7c: {  	_ =	shalt  }
0x7d: {  	_ =	shalt  }
0x7e: {  	_ =	shalt  }
0x7f: {  	_ =	shalt  }
0x80: {  	_ =	shalt  }
0x81: {  	_ =	shalt  }
0x82: {  	_ =	shalt  }
0x83: {  	_ =	shalt  }
0x84: {  	_ =	shalt  }
0x85: {  	_ =	shalt  }
0x86: {  	_ =	shalt  }
0x87: {  	_ =	shalt  }
.Lfunc_end0:
.L_simem_size_0:
called_computation_lowered:
.L_overlay_start_0:
0x88: {  	s2 =	sld [smem:$0x3FD9]  }
0x89: {  	s3 =	sld [smem:$0x3FFE];
	_ =	sdelay $0x1  }
0x8a: {  	s1 =	srdreg.scid  }
0x8b: {  	s0 =	sand.u32 $0x1, s1  }
0x8c: {  	s17 =	sshll.u32 s0, $0xA;
	s2 =	sadd.s32 s3, s2  }
0x8d: {  	s2 =	sadd.s32 s2, s17  }
0x8e: {  	[smem:$0x3FC6] =	sst s2  }
0x8f: {  	_ = 	snop  }
0x90: {  	s2 =	sld [smem:$0x3FC9]  }
0x91: {  	s18 =	sld [smem:$0x3FD0];
	(tm) =	ssettm $0x1  }
0x92: {  	s4 =	sld [smem:$0x3FFB];
	_ =	sdelay $0x3  }
0x93: {  	_ =	strace s4  }
0x94: {  	s4 =	sld [smem:$0x3FFC];
	_ =	sdelay $0x3  }
0x95: {  	_ =	strace s4  }
0x96: {  	s4 =	sld [smem:$0x3FFD];
	_ =	sdelay $0x3  }
0x97: {  	_ =	strace s4  }
0x98: {  	_ =	strace $0x8FFFFFFF  }
0x99: {  	s19 =	sld [smem:$0x3FDB];
	_ =	sdelay $0x1  }
0x9a: {  	s5 =	simm.s32 $_scs_section_size  }
0x9b: {  	s6 =	simm.s32 $_size__tile_overlayer_lowered;
	s7 =	simm.s32 $_tile_overlayer_lowered  }
0x9c: {  	s22 =	simm.s32 $0x1BFF;
	s21 =	sshll.u32 s7, $0x1;
	s4 =	sadd.s32 s5, s19  }
0x9d: {  	s8 =	simm.s32 $0x0;
	s20 =	sshll.u32 s6, $0x1;
	s6 =	sadd.s32 s21, s4  }
0x9e: {  	[timem:s8], [sflag:s22] =	dma.local [hbm:s6], s20  }
0x9f: {  	_ =	swait.ge [sflag:s22], s20  }
0xa0: {  	s5 =	ssub.s32 $0x0, s20;
	[sflag:s22] =	ssyncset.done $0x0  }
0xa1: {  	[sflag:s22] =	ssyncadd.s32 s5;
	_ =	sdelay $0x1  }
0xa2: {  	s23 =	simm.s32 $0x1B8B  }
0xa3: {  	_ =	swait.ge [sflag:s23], $0x1  }
0xa4: {  	[sflag:s23] =	ssyncset.done $0x0  }
0xa5: {  	s25 =	simm.s32 $0x1B8E;
	s24 =	sld [smem:$0x3FFE];
	[sflag:s23] =	ssyncadd.s32 $0xFFFFFFFF  }
0xa6: {  	s26 =	simm.s32 $execute0_lowered;
	[smem:$0x3FD2] =	sst s25  }
0xa7: {  	s6 =	sshll.u32 s26, $0x1;
	_ =	strace $0x80000046;
	[dreg:$0x1] =	wrdreg $0xFFFFFFFF  }
0xa8: {  	s28 =	simm.s32 $_size_execute0_lowered;
	s4 =	sadd.s32 s4, s6;
	[dreg:$0x0] =	wrdreg $0x0  }
0xa9: {  	s6 =	sshll.u32 s28, $0x1;
	[dreg:$0x2] =	wrdreg s4  }
0xaa: {  	[dreg:$0x3] =	wrdreg s6  }
0xab: {  	[dreg:$0x4] =	wrdreg $0xC0  }
0xac: {  	_ =	task [dreg:s8], $0x5FFFF  }
0xad: {  	[dreg:$0x1] =	wrdreg $0xFFFFFFFF  }
0xae: {  	[dreg:$0x0] =	wrdreg $0x60  }
0xaf: {  	[dreg:$0x2] =	wrdreg s24  }
0xb0: {  	[dreg:$0x3] =	wrdreg s2  }
0xb1: {  	[dreg:$0x4] =	wrdreg s18  }
0xb2: {  	[dreg:$0x5] =	wrdreg $0x9  }
0xb3: {  	_ =	task.clear_ibuf [dreg:s8], $0x6FFFF;
	_ =	strace $0x90000046  }
0xb4: {  	s29 =	simm.s32 $0x9;
	_ =	strace $0x80000048  }
0xb5: {  	_ =	swait.ge [sflag:s29], $0x1  }
0xb6: {  	[sflag:s29] =	ssyncadd.s32 $0xFFFFFFFF  }
0xb7: {  	_ =	strace $0x90000048  }
0xb8: {  	_ =	sfence  }
0xb9: {  	s30 =	sld [smem:$0x0];
	_ =	sdelay $0x2  }
0xba: {  	s31 =	sshll.u32 s1, $0xD;
	s1 =	sshrl.u32 s1, $0x2  }
0xbb: {  	s3 =	sand.u32 $0x4000, s31;
	s1 =	sadd.s32 s1, s30  }
0xbc: {  	s0 =	sor.u32 s3, s0;
	s1 =	sshll.u32 s1, $0x11  }
0xbd: {  	s0 =	sor.u32 s1, s0  }
0xbe: {  	s0 =	sadd.s32 $0x8F2B, s0  }
0xbf: {  	[sflag:s0] =	ssyncadd.remote.s32 $0x1  }
0xc0: {  	_ =	sfence.sel $0xFFFF  }
0xc1: {  	[dreg:$0x0] =	wrdreg $0xFFFFFFFF;
	(pc) =	sbr.abs _section_cstart, $3  }
0xc2: {  	[dreg:$0x1] =	wrdreg $0xFFFFFFFF  }
0xc3: {  	_ =	task.clear_ibuf [dreg:s8], $0x2FFFF;
	_ =	strace $0x9FFFFFFF  }
0xc4: {  	(tm) =	ssettm $0x7FFFFFFF  }
0xc5: {  	_ =	shalt  }
tec
execute0_lowered:
.L_overlay_start_1:
0x0: {  	(tag) =	ssettag $0x1  }
0x1: {  	s0 =	rddreg [dreg:$0x0]  }
0x2: {  	s9 =	rddreg [dreg:$0x1]  }
0x3: {  	s3 =	rddreg [dreg:$0x2];
	s1 =	srdreg.scid  }
0x4: {  	s2 =	stileid.u32;
	s4 =	simm.s32 $0x0;
	s12 =	simm.s32 $0x5  }
0x5: {  	s13 =	simm.s32 $0x200;
	s14 =	simm.s32 $0x400;
	s15 =	simm.s32 $0x2100  }
0x6: {  	s16 =	simm.s32 $0x1;
	s19 =	simm.s32 $0xA100;
	s20 =	simm.s32 $0x2  }
0x7: {  	s21 =	simm.s32 $0xE500;
	s22 =	simm.s32 $0x3;
	s23 =	simm.s32 $0x4  }
0x8: {  	s25 =	simm.s32 $0x0;
	s1 =	sand.u32 $0x1, s1;
	s2 =	sshll.u32 s2, $0x1  }
0x9: {  	[smem:$0x7FF] =	sst s4;
	s6 =	ssub.s32 $0x2, s1;
	s1 =	sor.u32 s1, s2  }
0xa: {  	s5 =	sadd.s32 $0xA00, s0;
	s0 =	sadd.s32 $0x600, s0;
	s8 =	smul.u32 $0xC80, s1  }
0xb: {  	v0 =	vlaneseq.u32;
	s18 =	smov.u32 s9;
	_ =	strace $0x80000047;
	s29 =	sshrl.u32 s6, $0x1  }
0xc: {  	v0 =	vmul.u32 $0x88, v0;
	[dreg:$0x4] =	wrdreg s0;
	s30 =	ssub.s32 s6, s29;
	s31 =	sadd.s32 s9, s8  }
0xd: {  	s7 =	smul.u32 $0x32, s1;
	s0 =	smax.u32 s30, $0x1;
	[dreg:$0x5] =	wrdreg s31  }
0xe: {  	v1 =	vadd.s32 $0x880, v0;
	s1 =	simm.s32 $0x0;
	s9 =	sadd.s32 $0x40, s9;
	[dreg:$0x6] =	wrdreg s0  }
.LBB2_1:
0xf: {  	[dreg:$0x7] =	wrdreg s1  }
0x10: {  	s0 =	rddreg [dreg:$0x4];
	s30 =	simm.s32 $0x800  }
0x11: {  	[tilespmem:s30], [sflag:$0x5] =	stream.linear.gather [hbm4b:s0+s4], $0x1900, $0x38;
	[tilespmem:$0x12900] =	vst v63  }
0x12: {  	_ =	swait.ge [sflag:s12], $0x1900  }
0x13: {  	[sflag:s12] =	ssyncset.done $0x0  }
0x14: {  	s31 =	rddreg [dreg:$0x5];
	[sflag:s12] =	ssyncadd.s32 $0xFFFFE700  }
0x15: {  	[tilespmem:s4], [sflag:$0x5] =	stream.linear.gather [hbm4b:s31+s4], $0x200, $0x38;
	[tilespmem:$0x12900] =	vst v63  }
0x16: {  	_ =	swait.ge [sflag:s12], $0x200  }
0x17: {  	[sflag:s12] =	ssyncset.done $0x0  }
0x18: {  	s0 =	simm.s32 $0x0;
	[sflag:s12] =	ssyncadd.s32 $0xFFFFFE00  }
0x19: {  	v2 =	vld [tilespmem:s0+$0x0];
	_ =	sdelay $0x2  }
0x1a: {  	s1 =	simm.s32 $0x40  }
.LBB2_2:
0x1b: {  	p0 =	sne.s32 s1, $0x7C0  }
.Ltmp0:
0x1c: {  	s2 =	sshra.s32 s1, $0x2;
	s1 =	sadd.s32 $0x40, s1;
	v3 =	vshll.u32 v2, $0x2;
	(pc) =	sbr.rel @p0 .LBB2_2-.Ltmp0, $4  }
0x1d: {  	v4 =	vand.u32 $0xFFFFC000, v2;
	v5 =	vshrl.u32 v2, $0xC;
	v3 =	vand.u32 $0x3FFC, v3;
	v2 =	vld [tilespmem:s2+$0x0]  }
0x1e: {  	v3 =	vor.u32 v4, v3;
	v4 =	vand.u32 $0x3, v5  }
0x1f: {  	v3 =	vor.u32 v4, v3  }
0x20: {  	[tilespmem:s0+$0x400] =	vst v3;
	s0 =	smov.u32 s2  }
0x21: {  	_ = 	snop  }
0x22: {  	v3 =	vshll.u32 v2, $0x2  }
0x23: {  	v4 =	vand.u32 $0xFFFFC000, v2;
	v2 =	vshrl.u32 v2, $0xC;
	v3 =	vand.u32 $0x3FFC, v3  }
0x24: {  	v2 =	vand.u32 $0x3, v2;
	v3 =	vor.u32 v4, v3  }
0x25: {  	v2 =	vor.u32 v2, v3  }
0x26: {  	s26 =	simm.s32 $0x0;
	[tilespmem:s0+$0x400] =	vst v2  }
0x27: {  	[tilespmem:s15], [sflag:$0x1] =	stream.indirect.gather [hbm4b:s5+s13], $0x20, s14, s13, $0xb8;
	[tilespmem:$0x12900] =	vst v63  }
.LBB2_4:
0x28: {  	s0 =	sshll.u32 s26, $0x1  }
0x29: {  	s0 =	sadd.s32 s7, s0  }
0x2a: {  	s29 =	sshrl.u32 s0, $0x6;
	s1 =	sshll.u32 s0, $0x9  }
0x2b: {  	s28 =	sand.u32 $0x7C00, s1;
	s31 =	sshll.u32 s29, $0xF  }
0x2c: {  	_ =	swait.ge [sflag:s16], $0x4000;
	s1 =	sor.u32 s28, s31  }
0x2d: {  	[sflag:s16] =	ssyncset.done $0x0;
	s1 =	sshrl.u32 s1, $0x3  }
0x2e: {  	[sflag:s16] =	ssyncadd.s32 $0xFFFFC000;
	s1 =	sadd.s32 s1, s9  }
0x2f: {  	[tilespmem:s13], [sflag:$0x5] =	stream.linear.gather [hbm4b:s1+s25], $0x200, $0x38;
	[tilespmem:$0x12900] =	vst v63  }
0x30: {  	_ =	swait.ge [sflag:s12], $0x200  }
0x31: {  	[sflag:s12] =	ssyncset.done $0x0  }
0x32: {  	s1 =	simm.s32 $0x0;
	[sflag:s12] =	ssyncadd.s32 $0xFFFFFE00  }
0x33: {  	v2 =	vld [tilespmem:s1+$0x200];
	_ =	sdelay $0x2  }
0x34: {  	s6 =	simm.s32 $0x40  }
.LBB2_5:
0x35: {  	p0 =	sne.s32 s6, $0x7C0  }
.Ltmp1:
0x36: {  	s2 =	sshra.s32 s6, $0x2;
	s6 =	sadd.s32 $0x40, s6;
	v3 =	vshll.u32 v2, $0x2;
	(pc) =	sbr.rel @p0 .LBB2_5-.Ltmp1, $4  }
0x37: {  	v4 =	vand.u32 $0xFFFFC000, v2;
	v5 =	vshrl.u32 v2, $0xC;
	v3 =	vand.u32 $0x3FFC, v3;
	v2 =	vld [tilespmem:s2+$0x200]  }
0x38: {  	v3 =	vor.u32 v4, v3;
	v4 =	vand.u32 $0x3, v5  }
0x39: {  	v3 =	vor.u32 v4, v3  }
0x3a: {  	[tilespmem:s1+$0x600] =	vst v3;
	s1 =	smov.u32 s2  }
0x3b: {  	_ = 	snop  }
0x3c: {  	v3 =	vshll.u32 v2, $0x2  }
0x3d: {  	v4 =	vand.u32 $0xFFFFC000, v2;
	v2 =	vshrl.u32 v2, $0xC;
	v3 =	vand.u32 $0x3FFC, v3  }
0x3e: {  	v2 =	vand.u32 $0x3, v2;
	v3 =	vor.u32 v4, v3  }
0x3f: {  	p0 =	seq.s32 s26, $0x0;
	v2 =	vor.u32 v2, v3  }
0x40: {  	s17 =	simm.s32 $0x600;
	s2 =	simm.s32 $0x6100;
	[tilespmem:s1+$0x600] =	vst v2;
	s1 =	simm.s32 @!p0 $0x3  }
0x41: {  	[tilespmem:s2], [sflag:$0x2] =	stream.indirect.gather [hbm4b:s5+s13], $0x20, s17, s13, $0xb8;
	[tilespmem:$0x12900] =	vst v63  }
0x42: {  	_ =	swait.ge @!p0 [sflag:s1], $0x400  }
0x43: {  	[sflag:s1] =	ssyncset.done @!p0 $0x0  }
0x44: {  	[sflag:s1] =	ssyncadd.s32 @!p0 $0xFFFFFC00  }
0x45: {  	_ =	swait.ge @!p0 [sflag:s1], $0x400  }
0x46: {  	[sflag:s1] =	ssyncset.done @!p0 $0x0  }
0x47: {  	[sflag:s1] =	ssyncadd.s32 @!p0 $0xFFFFFC00  }
0x48: {  	_ =	swait.ge @!p0 [sflag:s1], $0x400  }
0x49: {  	[sflag:s1] =	ssyncset.done @!p0 $0x0  }
0x4a: {  	[sflag:s1] =	ssyncadd.s32 @!p0 $0xFFFFFC00  }
0x4b: {  	_ =	swait.ge @!p0 [sflag:s1], $0x400  }
0x4c: {  	[sflag:s1] =	ssyncset.done @!p0 $0x0  }
0x4d: {  	[sflag:s1] =	ssyncadd.s32 @!p0 $0xFFFFFC00  }
0x4e: {  	_ =	swait.ge @!p0 [sflag:s1], $0x400  }
0x4f: {  	[sflag:s1] =	ssyncset.done @!p0 $0x0  }
0x50: {  	[sflag:s1] =	ssyncadd.s32 @!p0 $0xFFFFFC00  }
0x51: {  	_ =	swait.ge @!p0 [sflag:s1], $0x400  }
0x52: {  	[sflag:s1] =	ssyncset.done @!p0 $0x0  }
0x53: {  	[sflag:s1] =	ssyncadd.s32 @!p0 $0xFFFFFC00  }
0x54: {  	_ =	swait.ge @!p0 [sflag:s1], $0x400  }
0x55: {  	[sflag:s1] =	ssyncset.done @!p0 $0x0  }
0x56: {  	[sflag:s1] =	ssyncadd.s32 @!p0 $0xFFFFFC00  }
0x57: {  	_ =	swait.ge @!p0 [sflag:s1], $0x400  }
0x58: {  	[sflag:s1] =	ssyncset.done @!p0 $0x0  }
0x59: {  	[sflag:s1] =	ssyncadd.s32 @!p0 $0xFFFFFC00  }
0x5a: {  	_ =	swait.ge @!p0 [sflag:s1], $0x400  }
0x5b: {  	[sflag:s1] =	ssyncset.done @!p0 $0x0  }
0x5c: {  	[sflag:s1] =	ssyncadd.s32 @!p0 $0xFFFFFC00  }
0x5d: {  	_ =	swait.ge @!p0 [sflag:s1], $0x400  }
0x5e: {  	[sflag:s1] =	ssyncset.done @!p0 $0x0  }
0x5f: {  	[sflag:s1] =	ssyncadd.s32 @!p0 $0xFFFFFC00  }
0x60: {  	_ =	swait.ge @!p0 [sflag:s1], $0x400  }
0x61: {  	[sflag:s1] =	ssyncset.done @!p0 $0x0  }
0x62: {  	[sflag:s1] =	ssyncadd.s32 @!p0 $0xFFFFFC00  }
0x63: {  	_ =	swait.ge @!p0 [sflag:s1], $0x400  }
0x64: {  	[sflag:s1] =	ssyncset.done @!p0 $0x0  }
0x65: {  	[sflag:s1] =	ssyncadd.s32 @!p0 $0xFFFFFC00  }
0x66: {  	_ =	swait.ge @!p0 [sflag:s1], $0x400  }
0x67: {  	[sflag:s1] =	ssyncset.done @!p0 $0x0  }
0x68: {  	[sflag:s1] =	ssyncadd.s32 @!p0 $0xFFFFFC00  }
0x69: {  	_ =	swait.ge @!p0 [sflag:s1], $0x400  }
0x6a: {  	[sflag:s1] =	ssyncset.done @!p0 $0x0  }
0x6b: {  	[sflag:s1] =	ssyncadd.s32 @!p0 $0xFFFFFC00  }
0x6c: {  	_ =	swait.ge @!p0 [sflag:s1], $0x400  }
0x6d: {  	[sflag:s1] =	ssyncset.done @!p0 $0x0  }
0x6e: {  	[sflag:s1] =	ssyncadd.s32 @!p0 $0xFFFFFC00  }
0x6f: {  	s30 =	smin.u32 s0, $0x63D;
	_ =	swait.ge @!p0 [sflag:s1], $0x400  }
0x70: {  	s24 =	sshrl.u32 s0, $0x3;
	s0 =	simm.s32 $0x0;
	[sflag:s1] =	ssyncset.done @!p0 $0x0  }
0x71: {  	s6 =	simm.s32 $0x2180;
	s31 =	sand.u32 $0xFFFFFF8, s24;
	[sflag:s1] =	ssyncadd.s32 @!p0 $0xFFFFFC00  }
.LBB2_7:
0x72: {  	s2 =	sshll.u32 s0, $0x5  }
0x73: {  	v2 =	vmov s2  }
0x74: {  	s1 =	sadd.s32 s31, s0;
	v4 =	vmul.u32 $0x88, v2  }
0x75: {  	v7 =	vld [tilespmem:s6+$0xFFFFFF80];
	s1 =	sshll.u32 s1, $0x7  }
0x76: {  	v8 =	vld [tilespmem:s6+$0xFFFFFF90];
	s1 =	sshra.s32 s1, $0x2;
	v6 =	vbroadcast v4, $0x0  }
0x77: {  	v2 =	vld [tilespmem:s1+$0x800]  }
0x78: {  	v5 =	vimm.s32 $0x0;
	v3 =	vld [tilespmem:s1+$0x810];
	v4 =	vadd.s32 v0, v6  }
0x79: {  	v6 =	vadd.s32 v1, v6;
	v9 =	vadd.s32 v5, v4  }
0x7a: {  	v10 =	vadd.s32 v5, v6;
	_ =	sdelay $0x1  }
0x7b: {  	v7 =	vadd.f32 v7, v2  }
0x7c: {  	v8 =	vadd.f32 v8, v3  }
0x7d: {  	[tilespmem:v9+s19+$0x0] =	vst.idx.msk $0xffff, v7  }
0x7e: {  	[tilespmem:v10+s19+$0x0] =	vst.idx.msk $0xffff, v8  }
0x7f: {  	v7 =	vld [tilespmem:s6+$0xFFFFFFA0]  }
0x80: {  	v8 =	vld [tilespmem:s6+$0xFFFFFFB0]  }
0x81: {  	v11 =	vor.u32 $0x1, v9  }
0x82: {  	v12 =	vor.u32 $0x1, v10;
	_ =	sdelay $0x1  }
0x83: {  	v7 =	vadd.f32 v7, v2  }
0x84: {  	v8 =	vadd.f32 v8, v3  }
0x85: {  	[tilespmem:v11+s19+$0x0] =	vst.idx.msk $0xffff, v7  }
0x86: {  	[tilespmem:v12+s19+$0x0] =	vst.idx.msk $0xffff, v8  }
0x87: {  	v7 =	vld [tilespmem:s6+$0xFFFFFFC0]  }
0x88: {  	v8 =	vld [tilespmem:s6+$0xFFFFFFD0]  }
0x89: {  	v11 =	vor.u32 $0x2, v9  }
0x8a: {  	v59 =	vor.u32 $0x2, v10;
	_ =	sdelay $0x1  }
0x8b: {  	v7 =	vadd.f32 v7, v2  }
0x8c: {  	v8 =	vadd.f32 v8, v3  }
0x8d: {  	[tilespmem:v11+s19+$0x0] =	vst.idx.msk $0xffff, v7  }
0x8e: {  	[tilespmem:v59+s19+$0x0] =	vst.idx.msk $0xffff, v8  }
0x8f: {  	v7 =	vld [tilespmem:s6+$0xFFFFFFE0]  }
0x90: {  	v8 =	vld [tilespmem:s6+$0xFFFFFFF0]  }
0x91: {  	v11 =	vor.u32 $0x3, v9  }
0x92: {  	v60 =	vor.u32 $0x3, v10;
	_ =	sdelay $0x1  }
0x93: {  	v7 =	vadd.f32 v7, v2  }
0x94: {  	v8 =	vadd.f32 v8, v3  }
0x95: {  	[tilespmem:v11+s19+$0x0] =	vst.idx.msk $0xffff, v7  }
0x96: {  	[tilespmem:v60+s19+$0x0] =	vst.idx.msk $0xffff, v8  }
0x97: {  	v7 =	vld [tilespmem:s6+$0x0]  }
0x98: {  	v8 =	vld [tilespmem:s6+$0x10]  }
0x99: {  	v11 =	vor.u32 $0x4, v9  }
0x9a: {  	v61 =	vor.u32 $0x4, v10;
	_ =	sdelay $0x1  }
0x9b: {  	v7 =	vadd.f32 v7, v2  }
0x9c: {  	v8 =	vadd.f32 v8, v3  }
0x9d: {  	[tilespmem:v11+s19+$0x0] =	vst.idx.msk $0xffff, v7  }
0x9e: {  	[tilespmem:v61+s19+$0x0] =	vst.idx.msk $0xffff, v8  }
0x9f: {  	v7 =	vld [tilespmem:s6+$0x20]  }
0xa0: {  	v8 =	vld [tilespmem:s6+$0x30]  }
0xa1: {  	v11 =	vor.u32 $0x5, v9  }
0xa2: {  	v62 =	vor.u32 $0x5, v10;
	_ =	sdelay $0x1  }
0xa3: {  	v7 =	vadd.f32 v7, v2  }
0xa4: {  	v8 =	vadd.f32 v8, v3  }
0xa5: {  	[tilespmem:v11+s19+$0x0] =	vst.idx.msk $0xffff, v7  }
0xa6: {  	[tilespmem:v62+s19+$0x0] =	vst.idx.msk $0xffff, v8  }
0xa7: {  	v7 =	vld [tilespmem:s6+$0x40]  }
0xa8: {  	v8 =	vld [tilespmem:s6+$0x50]  }
0xa9: {  	v11 =	vor.u32 $0x6, v9  }
0xaa: {  	v63 =	vor.u32 $0x6, v10;
	_ =	sdelay $0x1  }
0xab: {  	v7 =	vadd.f32 v7, v2  }
0xac: {  	v8 =	vadd.f32 v8, v3  }
0xad: {  	[tilespmem:v11+s19+$0x0] =	vst.idx.msk $0xffff, v7  }
0xae: {  	[tilespmem:v63+s19+$0x0] =	vst.idx.msk $0xffff, v8  }
0xaf: {  	v7 =	vld [tilespmem:s6+$0x60];
	_ =	sdelay $0x2  }
0xb0: {  	v8 =	vld [tilespmem:s6+$0x70]  }
0xb1: {  	v9 =	vor.u32 $0x7, v9  }
0xb2: {  	v11 =	vadd.f32 v7, v2;
	v7 =	vor.u32 $0x7, v10;
	_ =	sdelay $0x2  }
0xb3: {  	v8 =	vadd.f32 v8, v3  }
0xb4: {  	s11 =	simm.s32 $0x0;
	s1 =	smov.u32 s6;
	[tilespmem:v9+s19+$0x0] =	vst.idx.msk $0xffff, v11  }
.LBB2_8:
0xb5: {  	s11 =	sadd.s32 $0x8, s11;
	[tilespmem:v7+s19+$0x0] =	vst.idx.msk $0xffff, v8;
	v5 =	vadd.s32 $0x8, v5;
	s1 =	sadd.s32 $0x100, s1  }
0xb6: {  	v7 =	vld [tilespmem:s1+$0xFFFFFF80];
	p1 =	slt.u32 s11, $0x78  }
0xb7: {  	v8 =	vld [tilespmem:s1+$0xFFFFFF90]  }
0xb8: {  	v9 =	vadd.s32 v5, v4  }
0xb9: {  	v10 =	vadd.s32 v5, v6;
	_ =	sdelay $0x1  }
0xba: {  	v7 =	vadd.f32 v7, v2  }
0xbb: {  	v8 =	vadd.f32 v8, v3  }
0xbc: {  	[tilespmem:v9+s19+$0x0] =	vst.idx.msk $0xffff, v7  }
0xbd: {  	[tilespmem:v10+s19+$0x0] =	vst.idx.msk $0xffff, v8  }
0xbe: {  	v7 =	vld [tilespmem:s1+$0xFFFFFFA0]  }
0xbf: {  	v8 =	vld [tilespmem:s1+$0xFFFFFFB0]  }
0xc0: {  	v11 =	vor.u32 $0x1, v9  }
0xc1: {  	v12 =	vor.u32 $0x1, v10;
	_ =	sdelay $0x1  }
0xc2: {  	v7 =	vadd.f32 v7, v2  }
0xc3: {  	v8 =	vadd.f32 v8, v3  }
0xc4: {  	[tilespmem:v11+s19+$0x0] =	vst.idx.msk $0xffff, v7  }
0xc5: {  	[tilespmem:v12+s19+$0x0] =	vst.idx.msk $0xffff, v8  }
0xc6: {  	v7 =	vld [tilespmem:s1+$0xFFFFFFC0]  }
0xc7: {  	v8 =	vld [tilespmem:s1+$0xFFFFFFD0]  }
0xc8: {  	v11 =	vor.u32 $0x2, v9  }
0xc9: {  	v12 =	vor.u32 $0x2, v10;
	_ =	sdelay $0x1  }
0xca: {  	v7 =	vadd.f32 v7, v2  }
0xcb: {  	v8 =	vadd.f32 v8, v3  }
0xcc: {  	[tilespmem:v11+s19+$0x0] =	vst.idx.msk $0xffff, v7  }
0xcd: {  	[tilespmem:v12+s19+$0x0] =	vst.idx.msk $0xffff, v8  }
0xce: {  	v7 =	vld [tilespmem:s1+$0xFFFFFFE0]  }
0xcf: {  	v8 =	vld [tilespmem:s1+$0xFFFFFFF0]  }
0xd0: {  	v11 =	vor.u32 $0x3, v9  }
0xd1: {  	v12 =	vor.u32 $0x3, v10;
	_ =	sdelay $0x1  }
0xd2: {  	v7 =	vadd.f32 v7, v2  }
0xd3: {  	v8 =	vadd.f32 v8, v3  }
0xd4: {  	[tilespmem:v11+s19+$0x0] =	vst.idx.msk $0xffff, v7  }
0xd5: {  	[tilespmem:v12+s19+$0x0] =	vst.idx.msk $0xffff, v8  }
0xd6: {  	v7 =	vld [tilespmem:s1+$0x0]  }
0xd7: {  	v8 =	vld [tilespmem:s1+$0x10]  }
0xd8: {  	v11 =	vor.u32 $0x4, v9  }
0xd9: {  	v12 =	vor.u32 $0x4, v10;
	_ =	sdelay $0x1  }
0xda: {  	v7 =	vadd.f32 v7, v2  }
0xdb: {  	v8 =	vadd.f32 v8, v3  }
0xdc: {  	[tilespmem:v11+s19+$0x0] =	vst.idx.msk $0xffff, v7  }
0xdd: {  	[tilespmem:v12+s19+$0x0] =	vst.idx.msk $0xffff, v8  }
0xde: {  	v7 =	vld [tilespmem:s1+$0x20]  }
0xdf: {  	v8 =	vld [tilespmem:s1+$0x30]  }
0xe0: {  	v11 =	vor.u32 $0x5, v9  }
0xe1: {  	v12 =	vor.u32 $0x5, v10;
	_ =	sdelay $0x1  }
0xe2: {  	v7 =	vadd.f32 v7, v2  }
0xe3: {  	v8 =	vadd.f32 v8, v3  }
0xe4: {  	[tilespmem:v11+s19+$0x0] =	vst.idx.msk $0xffff, v7  }
0xe5: {  	[tilespmem:v12+s19+$0x0] =	vst.idx.msk $0xffff, v8  }
0xe6: {  	v7 =	vld [tilespmem:s1+$0x40]  }
0xe7: {  	v8 =	vld [tilespmem:s1+$0x50]  }
0xe8: {  	v11 =	vor.u32 $0x6, v9  }
0xe9: {  	v12 =	vor.u32 $0x6, v10;
	_ =	sdelay $0x1  }
0xea: {  	v7 =	vadd.f32 v7, v2  }
0xeb: {  	v8 =	vadd.f32 v8, v3  }
0xec: {  	[tilespmem:v11+s19+$0x0] =	vst.idx.msk $0xffff, v7  }
0xed: {  	[tilespmem:v12+s19+$0x0] =	vst.idx.msk $0xffff, v8  }
0xee: {  	v8 =	vld [tilespmem:s1+$0x60]  }
0xef: {  	v11 =	vld [tilespmem:s1+$0x70]  }
0xf0: {  	v9 =	vor.u32 $0x7, v9  }
.Ltmp2:
0xf1: {  	v7 =	vor.u32 $0x7, v10;
	(pc) =	sbr.rel @p1 .LBB2_8-.Ltmp2, $4  }
0xf2: {  	_ = 	snop  }
0xf3: {  	v10 =	vadd.f32 v8, v2  }
0xf4: {  	v8 =	vadd.f32 v11, v3  }
0xf5: {  	[tilespmem:v9+s19+$0x0] =	vst.idx.msk $0xffff, v10  }
0xf6: {  	s0 =	sadd.s32 $0x1, s0  }
0xf7: {  	p1 =	sne.s32 s0, $0x4  }
.Ltmp3:
0xf8: {  	_ = 	snop;
	(pc) =	sbr.rel @p1 .LBB2_7-.Ltmp3, $2  }
0xf9: {  	_ =	sdelay $0x2  }
0xfa: {  	[tilespmem:v7+s19+$0x0] =	vst.idx.msk $0xffff, v8;
	s6 =	sadd.s32 $0x1000, s6  }
0xfb: {  	s0 =	simm.s32 $0x0;
	s1 =	sadd.s32 $0x0, s31  }
0xfc: {  	s1 =	sshll.u32 s1, $0x11;
	s0 =	sand.u32 $0x18000, s0  }
0xfd: {  	s0 =	sor.u32 s0, s1  }
0xfe: {  	s0 =	sor.u32 s28, s0  }
0xff: {  	s0 =	sshrl.u32 s0, $0x3  }
0x100: {  	s17 =	simm.s32 $0xA100;
	s0 =	sadd.s32 s3, s0  }
0x101: {  	[hbm4b:s0+s4] =	stream.linear.scatter [tilespmem:s17], [sflag:$0x3], $0x80, $0x38;
	[tilespmem:$0x12900] =	vst v63  }
0x102: {  	s24 =	simm.s32 $0xA188;
	s6 =	simm.s32 $0xA210;
	s2 =	sadd.s32 $0x10, s0  }
0x103: {  	[hbm4b:s2+s4] =	stream.linear.scatter [tilespmem:s24], [sflag:$0x3], $0x80, $0x38;
	[tilespmem:$0x12900] =	vst v63  }
0x104: {  	s10 =	simm.s32 $0xA298;
	s1 =	simm.s32 $0x1100;
	s8 =	sadd.s32 $0x20, s0  }
0x105: {  	[hbm4b:s8+s4] =	stream.linear.scatter [tilespmem:s6], [sflag:$0x3], $0x80, $0x38;
	[tilespmem:$0x12900] =	vst v63  }
0x106: {  	s11 =	sadd.s32 $0x30, s0;
	s17 =	simm.s32 $0xA320;
	s24 =	simm.s32 $0xA3A8  }
0x107: {  	[hbm4b:s11+s4] =	stream.linear.scatter [tilespmem:s10], [sflag:$0x3], $0x80, $0x38;
	[tilespmem:$0x12900] =	vst v63  }
0x108: {  	s2 =	simm.s32 $0xA430;
	s6 =	sadd.s32 $0x40, s0;
	s8 =	sadd.s32 $0x50, s0  }
0x109: {  	[hbm4b:s6+s4] =	stream.linear.scatter [tilespmem:s17], [sflag:$0x3], $0x80, $0x38;
	[tilespmem:$0x12900] =	vst v63  }
0x10a: {  	s11 =	simm.s32 $0x8000;
	s10 =	simm.s32 $0x1;
	s6 =	simm.s32 $0x2200  }
0x10b: {  	[hbm4b:s8+s4] =	stream.linear.scatter [tilespmem:s24], [sflag:$0x3], $0x80, $0x38;
	[tilespmem:$0x12900] =	vst v63  }
0x10c: {  	s17 =	sadd.s32 $0x60, s0;
	s8 =	simm.s32 $0x0;
	s24 =	sadd.s32 $0x0, s31  }
.LBB2_11:
0x10d: {  	[hbm4b:s17+s4] =	stream.linear.scatter [tilespmem:s2], [sflag:$0x3], $0x80, $0x38;
	[tilespmem:$0x12900] =	vst v63  }
0x10e: {  	p1 =	sne.s32 s6, $0xFF00;
	s2 =	sshll.u32 s24, $0x11;
	s17 =	sand.u32 $0x18000, s11  }
0x10f: {  	s2 =	sor.u32 s17, s2;
	s17 =	smov.u32 s6;
	s6 =	sadd.s32 $0x1100, s6  }
0x110: {  	s24 =	sadd.s32 $0xA4B8, s8;
	s0 =	sadd.s32 $0x70, s0;
	s2 =	sor.u32 s28, s2  }
0x111: {  	s8 =	sshra.s32 s1, $0x2;
	s1 =	smov.u32 s17;
	s2 =	sshrl.u32 s2, $0x3  }
0x112: {  	[hbm4b:s0+s4] =	stream.linear.scatter [tilespmem:s24], [sflag:$0x3], $0x80, $0x38;
	[tilespmem:$0x12900] =	vst v63  }
0x113: {  	s0 =	sadd.s32 s3, s2;
	s2 =	sadd.s32 $0xA100, s8  }
0x114: {  	[hbm4b:s0+s4] =	stream.linear.scatter [tilespmem:s2], [sflag:$0x3], $0x80, $0x38;
	[tilespmem:$0x12900] =	vst v63  }
0x115: {  	s17 =	sadd.s32 $0x10, s0;
	s2 =	sadd.s32 $0xA188, s8  }
0x116: {  	[hbm4b:s17+s4] =	stream.linear.scatter [tilespmem:s2], [sflag:$0x3], $0x80, $0x38;
	[tilespmem:$0x12900] =	vst v63  }
0x117: {  	s11 =	sadd.s32 $0x8000, s11;
	s2 =	sadd.s32 $0xA210, s8;
	s17 =	sadd.s32 $0x20, s0  }
0x118: {  	[hbm4b:s17+s4] =	stream.linear.scatter [tilespmem:s2], [sflag:$0x3], $0x80, $0x38;
	[tilespmem:$0x12900] =	vst v63  }
0x119: {  	s10 =	sadd.s32 $0x1, s10;
	s2 =	sadd.s32 $0xA298, s8;
	s17 =	sadd.s32 $0x30, s0  }
0x11a: {  	[hbm4b:s17+s4] =	stream.linear.scatter [tilespmem:s2], [sflag:$0x3], $0x80, $0x38;
	[tilespmem:$0x12900] =	vst v63  }
.Ltmp4:
0x11b: {  	s2 =	sadd.s32 $0xA320, s8;
	s17 =	sadd.s32 $0x40, s0;
	(pc) =	sbr.rel @p1 .LBB2_11-.Ltmp4, $4  }
0x11c: {  	[hbm4b:s17+s4] =	stream.linear.scatter [tilespmem:s2], [sflag:$0x3], $0x80, $0x38;
	[tilespmem:$0x12900] =	vst v63  }
0x11d: {  	s24 =	sadd.s32 $0x50, s0;
	s2 =	sshrl.u32 s10, $0x2;
	s17 =	sadd.s32 $0xA3A8, s8  }
0x11e: {  	[hbm4b:s24+s4] =	stream.linear.scatter [tilespmem:s17], [sflag:$0x3], $0x80, $0x38;
	[tilespmem:$0x12900] =	vst v63  }
0x11f: {  	s24 =	sadd.s32 s31, s2;
	s2 =	sadd.s32 $0xA430, s8;
	s17 =	sadd.s32 $0x60, s0  }
0x120: {  	[hbm4b:s17+s4] =	stream.linear.scatter [tilespmem:s2], [sflag:$0x3], $0x80, $0x38;
	[tilespmem:$0x12900] =	vst v63  }
0x121: {  	s10 =	sshll.u32 s24, $0x11;
	s6 =	sand.u32 $0x18000, s11  }
0x122: {  	s2 =	sor.u32 s6, s10  }
0x123: {  	s11 =	sadd.s32 $0xA4B8, s8;
	s0 =	sadd.s32 $0x70, s0;
	s2 =	sor.u32 s28, s2  }
0x124: {  	[hbm4b:s0+s4] =	stream.linear.scatter [tilespmem:s11], [sflag:$0x3], $0x80, $0x38;
	[tilespmem:$0x12900] =	vst v63  }
0x125: {  	s1 =	sshra.s32 s1, $0x2;
	s2 =	sshrl.u32 s2, $0x3  }
0x126: {  	s17 =	sadd.s32 $0xA100, s1;
	s0 =	sadd.s32 s3, s2  }
0x127: {  	[hbm4b:s0+s4] =	stream.linear.scatter [tilespmem:s17], [sflag:$0x3], $0x80, $0x38;
	[tilespmem:$0x12900] =	vst v63  }
0x128: {  	s24 =	sadd.s32 $0xA188, s1;
	s31 =	sadd.s32 $0x10, s0  }
0x129: {  	[hbm4b:s31+s4] =	stream.linear.scatter [tilespmem:s24], [sflag:$0x3], $0x80, $0x38;
	[tilespmem:$0x12900] =	vst v63  }
0x12a: {  	s8 =	sadd.s32 $0xA210, s1;
	s10 =	sadd.s32 $0x20, s0  }
0x12b: {  	[hbm4b:s10+s4] =	stream.linear.scatter [tilespmem:s8], [sflag:$0x3], $0x80, $0x38;
	[tilespmem:$0x12900] =	vst v63  }
0x12c: {  	s11 =	sadd.s32 $0xA298, s1;
	s17 =	sadd.s32 $0x30, s0  }
0x12d: {  	[hbm4b:s17+s4] =	stream.linear.scatter [tilespmem:s11], [sflag:$0x3], $0x80, $0x38;
	[tilespmem:$0x12900] =	vst v63  }
0x12e: {  	s24 =	sadd.s32 $0xA320, s1;
	s31 =	sadd.s32 $0x40, s0  }
0x12f: {  	[hbm4b:s31+s4] =	stream.linear.scatter [tilespmem:s24], [sflag:$0x3], $0x80, $0x38;
	[tilespmem:$0x12900] =	vst v63  }
0x130: {  	s8 =	sadd.s32 $0xA3A8, s1;
	s10 =	sadd.s32 $0x50, s0  }
0x131: {  	[hbm4b:s10+s4] =	stream.linear.scatter [tilespmem:s8], [sflag:$0x3], $0x80, $0x38;
	[tilespmem:$0x12900] =	vst v63  }
0x132: {  	s11 =	sadd.s32 $0xA430, s1;
	s17 =	sadd.s32 $0x60, s0  }
0x133: {  	[hbm4b:s17+s4] =	stream.linear.scatter [tilespmem:s11], [sflag:$0x3], $0x80, $0x38;
	[tilespmem:$0x12900] =	vst v63  }
0x134: {  	s1 =	sadd.s32 $0xA4B8, s1;
	s0 =	sadd.s32 $0x70, s0;
	s24 =	sshll.u32 s30, $0x6  }
0x135: {  	[hbm4b:s0+s4] =	stream.linear.scatter [tilespmem:s1], [sflag:$0x3], $0x80, $0x38;
	[tilespmem:$0x12900] =	vst v63  }
0x136: {  	s30 =	sadd.s32 $0x80, s24;
	s0 =	sand.u32 $0x40, s24;
	_ =	swait.ge [sflag:s20], $0x4000  }
0x137: {  	s1 =	sand.u32 $0x3FF80, s30;
	s0 =	sadd.s32 s18, s0;
	[sflag:s20] =	ssyncset.done $0x0  }
0x138: {  	s31 =	simm.s32 $0x0;
	s0 =	sadd.s32 s1, s0;
	[sflag:s20] =	ssyncadd.s32 $0xFFFFC000  }
0x139: {  	[tilespmem:s31], [sflag:$0x5] =	stream.linear.gather [hbm4b:s0+s31], $0x200, $0x38;
	[tilespmem:$0x12900] =	vst v63  }
0x13a: {  	_ =	swait.ge [sflag:s12], $0x200  }
0x13b: {  	[sflag:s12] =	ssyncset.done $0x0  }
0x13c: {  	s0 =	simm.s32 $0x0;
	[sflag:s12] =	ssyncadd.s32 $0xFFFFFE00  }
0x13d: {  	v2 =	vld [tilespmem:s0+$0x0];
	_ =	sdelay $0x2  }
0x13e: {  	s1 =	simm.s32 $0x40  }
.LBB2_13:
0x13f: {  	p1 =	sne.s32 s1, $0x7C0  }
.Ltmp5:
0x140: {  	s2 =	sshra.s32 s1, $0x2;
	s1 =	sadd.s32 $0x40, s1;
	v3 =	vshll.u32 v2, $0x2;
	(pc) =	sbr.rel @p1 .LBB2_13-.Ltmp5, $4  }
0x141: {  	v4 =	vand.u32 $0xFFFFC000, v2;
	v5 =	vshrl.u32 v2, $0xC;
	v3 =	vand.u32 $0x3FFC, v3;
	v2 =	vld [tilespmem:s2+$0x0]  }
0x142: {  	v3 =	vor.u32 v4, v3;
	v4 =	vand.u32 $0x3, v5  }
0x143: {  	v3 =	vor.u32 v4, v3  }
0x144: {  	[tilespmem:s0+$0x400] =	vst v3;
	s0 =	smov.u32 s2  }
0x145: {  	_ = 	snop  }
0x146: {  	v3 =	vshll.u32 v2, $0x2  }
0x147: {  	v4 =	vand.u32 $0xFFFFC000, v2;
	v2 =	vshrl.u32 v2, $0xC;
	v3 =	vand.u32 $0x3FFC, v3  }
0x148: {  	v2 =	vand.u32 $0x3, v2;
	v3 =	vor.u32 v4, v3  }
0x149: {  	v2 =	vor.u32 v2, v3  }
0x14a: {  	[tilespmem:s0+$0x400] =	vst v2;
	s0 =	simm.s32 @!p0 $0x4  }
0x14b: {  	[tilespmem:s15], [sflag:$0x1] =	stream.indirect.gather [hbm4b:s5+s13], $0x20, s14, s13, $0xb8;
	[tilespmem:$0x12900] =	vst v63  }
0x14c: {  	_ =	swait.ge @!p0 [sflag:s0], $0x400  }
0x14d: {  	[sflag:s0] =	ssyncset.done @!p0 $0x0  }
0x14e: {  	[sflag:s0] =	ssyncadd.s32 @!p0 $0xFFFFFC00  }
0x14f: {  	_ =	swait.ge @!p0 [sflag:s0], $0x400  }
0x150: {  	[sflag:s0] =	ssyncset.done @!p0 $0x0  }
0x151: {  	[sflag:s0] =	ssyncadd.s32 @!p0 $0xFFFFFC00  }
0x152: {  	_ =	swait.ge @!p0 [sflag:s0], $0x400  }
0x153: {  	[sflag:s0] =	ssyncset.done @!p0 $0x0  }
0x154: {  	[sflag:s0] =	ssyncadd.s32 @!p0 $0xFFFFFC00  }
0x155: {  	_ =	swait.ge @!p0 [sflag:s0], $0x400  }
0x156: {  	[sflag:s0] =	ssyncset.done @!p0 $0x0  }
0x157: {  	[sflag:s0] =	ssyncadd.s32 @!p0 $0xFFFFFC00  }
0x158: {  	_ =	swait.ge @!p0 [sflag:s0], $0x400  }
0x159: {  	[sflag:s0] =	ssyncset.done @!p0 $0x0  }
0x15a: {  	[sflag:s0] =	ssyncadd.s32 @!p0 $0xFFFFFC00  }
0x15b: {  	_ =	swait.ge @!p0 [sflag:s0], $0x400  }
0x15c: {  	[sflag:s0] =	ssyncset.done @!p0 $0x0  }
0x15d: {  	[sflag:s0] =	ssyncadd.s32 @!p0 $0xFFFFFC00  }
0x15e: {  	_ =	swait.ge @!p0 [sflag:s0], $0x400  }
0x15f: {  	[sflag:s0] =	ssyncset.done @!p0 $0x0  }
0x160: {  	[sflag:s0] =	ssyncadd.s32 @!p0 $0xFFFFFC00  }
0x161: {  	_ =	swait.ge @!p0 [sflag:s0], $0x400  }
0x162: {  	[sflag:s0] =	ssyncset.done @!p0 $0x0  }
0x163: {  	[sflag:s0] =	ssyncadd.s32 @!p0 $0xFFFFFC00  }
0x164: {  	_ =	swait.ge @!p0 [sflag:s0], $0x400  }
0x165: {  	[sflag:s0] =	ssyncset.done @!p0 $0x0  }
0x166: {  	[sflag:s0] =	ssyncadd.s32 @!p0 $0xFFFFFC00  }
0x167: {  	_ =	swait.ge @!p0 [sflag:s0], $0x400  }
0x168: {  	[sflag:s0] =	ssyncset.done @!p0 $0x0  }
0x169: {  	[sflag:s0] =	ssyncadd.s32 @!p0 $0xFFFFFC00  }
0x16a: {  	_ =	swait.ge @!p0 [sflag:s0], $0x400  }
0x16b: {  	[sflag:s0] =	ssyncset.done @!p0 $0x0  }
0x16c: {  	[sflag:s0] =	ssyncadd.s32 @!p0 $0xFFFFFC00  }
0x16d: {  	_ =	swait.ge @!p0 [sflag:s0], $0x400  }
0x16e: {  	[sflag:s0] =	ssyncset.done @!p0 $0x0  }
0x16f: {  	[sflag:s0] =	ssyncadd.s32 @!p0 $0xFFFFFC00  }
0x170: {  	_ =	swait.ge @!p0 [sflag:s0], $0x400  }
0x171: {  	[sflag:s0] =	ssyncset.done @!p0 $0x0  }
0x172: {  	[sflag:s0] =	ssyncadd.s32 @!p0 $0xFFFFFC00  }
0x173: {  	_ =	swait.ge @!p0 [sflag:s0], $0x400  }
0x174: {  	[sflag:s0] =	ssyncset.done @!p0 $0x0  }
0x175: {  	[sflag:s0] =	ssyncadd.s32 @!p0 $0xFFFFFC00  }
0x176: {  	_ =	swait.ge @!p0 [sflag:s0], $0x400  }
0x177: {  	[sflag:s0] =	ssyncset.done @!p0 $0x0  }
0x178: {  	[sflag:s0] =	ssyncadd.s32 @!p0 $0xFFFFFC00  }
0x179: {  	_ =	swait.ge @!p0 [sflag:s0], $0x400  }
0x17a: {  	s31 =	sshll.u32 s29, $0x3;
	s1 =	simm.s32 $0x6180;
	[sflag:s0] =	ssyncset.done @!p0 $0x0  }
0x17b: {  	s29 =	sor.u32 $0x4, s31;
	[sflag:s0] =	ssyncadd.s32 @!p0 $0xFFFFFC00;
	s0 =	simm.s32 $0x0  }
.LBB2_15:
0x17c: {  	s6 =	sshll.u32 s0, $0x5  }
0x17d: {  	v2 =	vmov s6  }
0x17e: {  	s2 =	sadd.s32 s29, s0;
	v4 =	vmul.u32 $0x88, v2  }
0x17f: {  	v7 =	vld [tilespmem:s1+$0xFFFFFF80];
	s2 =	sshll.u32 s2, $0x7  }
0x180: {  	v8 =	vld [tilespmem:s1+$0xFFFFFF90];
	s2 =	sshra.s32 s2, $0x2;
	v6 =	vbroadcast v4, $0x0  }
0x181: {  	v2 =	vld [tilespmem:s2+$0x800]  }
0x182: {  	v5 =	vimm.s32 $0x0;
	v3 =	vld [tilespmem:s2+$0x810];
	v4 =	vadd.s32 v0, v6  }
0x183: {  	v6 =	vadd.s32 v1, v6;
	v9 =	vadd.s32 v5, v4  }
0x184: {  	v10 =	vadd.s32 v5, v6;
	_ =	sdelay $0x1  }
0x185: {  	v7 =	vadd.f32 v7, v2  }
0x186: {  	v8 =	vadd.f32 v8, v3  }
0x187: {  	[tilespmem:v9+s21+$0x0] =	vst.idx.msk $0xffff, v7  }
0x188: {  	[tilespmem:v10+s21+$0x0] =	vst.idx.msk $0xffff, v8  }
0x189: {  	v7 =	vld [tilespmem:s1+$0xFFFFFFA0]  }
0x18a: {  	v8 =	vld [tilespmem:s1+$0xFFFFFFB0]  }
0x18b: {  	v11 =	vor.u32 $0x1, v9  }
0x18c: {  	v12 =	vor.u32 $0x1, v10;
	_ =	sdelay $0x1  }
0x18d: {  	v7 =	vadd.f32 v7, v2  }
0x18e: {  	v8 =	vadd.f32 v8, v3  }
0x18f: {  	[tilespmem:v11+s21+$0x0] =	vst.idx.msk $0xffff, v7  }
0x190: {  	[tilespmem:v12+s21+$0x0] =	vst.idx.msk $0xffff, v8  }
0x191: {  	v7 =	vld [tilespmem:s1+$0xFFFFFFC0]  }
0x192: {  	v8 =	vld [tilespmem:s1+$0xFFFFFFD0]  }
0x193: {  	v11 =	vor.u32 $0x2, v9  }
0x194: {  	v59 =	vor.u32 $0x2, v10;
	_ =	sdelay $0x1  }
0x195: {  	v7 =	vadd.f32 v7, v2  }
0x196: {  	v8 =	vadd.f32 v8, v3  }
0x197: {  	[tilespmem:v11+s21+$0x0] =	vst.idx.msk $0xffff, v7  }
0x198: {  	[tilespmem:v59+s21+$0x0] =	vst.idx.msk $0xffff, v8  }
0x199: {  	v7 =	vld [tilespmem:s1+$0xFFFFFFE0]  }
0x19a: {  	v8 =	vld [tilespmem:s1+$0xFFFFFFF0]  }
0x19b: {  	v11 =	vor.u32 $0x3, v9  }
0x19c: {  	v60 =	vor.u32 $0x3, v10;
	_ =	sdelay $0x1  }
0x19d: {  	v7 =	vadd.f32 v7, v2  }
0x19e: {  	v8 =	vadd.f32 v8, v3  }
0x19f: {  	[tilespmem:v11+s21+$0x0] =	vst.idx.msk $0xffff, v7  }
0x1a0: {  	[tilespmem:v60+s21+$0x0] =	vst.idx.msk $0xffff, v8  }
0x1a1: {  	v7 =	vld [tilespmem:s1+$0x0]  }
0x1a2: {  	v8 =	vld [tilespmem:s1+$0x10]  }
0x1a3: {  	v11 =	vor.u32 $0x4, v9  }
0x1a4: {  	v61 =	vor.u32 $0x4, v10;
	_ =	sdelay $0x1  }
0x1a5: {  	v7 =	vadd.f32 v7, v2  }
0x1a6: {  	v8 =	vadd.f32 v8, v3  }
0x1a7: {  	[tilespmem:v11+s21+$0x0] =	vst.idx.msk $0xffff, v7  }
0x1a8: {  	[tilespmem:v61+s21+$0x0] =	vst.idx.msk $0xffff, v8  }
0x1a9: {  	v7 =	vld [tilespmem:s1+$0x20]  }
0x1aa: {  	v8 =	vld [tilespmem:s1+$0x30]  }
0x1ab: {  	v11 =	vor.u32 $0x5, v9  }
0x1ac: {  	v62 =	vor.u32 $0x5, v10;
	_ =	sdelay $0x1  }
0x1ad: {  	v7 =	vadd.f32 v7, v2  }
0x1ae: {  	v8 =	vadd.f32 v8, v3  }
0x1af: {  	[tilespmem:v11+s21+$0x0] =	vst.idx.msk $0xffff, v7  }
0x1b0: {  	[tilespmem:v62+s21+$0x0] =	vst.idx.msk $0xffff, v8  }
0x1b1: {  	v7 =	vld [tilespmem:s1+$0x40]  }
0x1b2: {  	v8 =	vld [tilespmem:s1+$0x50]  }
0x1b3: {  	v11 =	vor.u32 $0x6, v9  }
0x1b4: {  	v63 =	vor.u32 $0x6, v10;
	_ =	sdelay $0x1  }
0x1b5: {  	v7 =	vadd.f32 v7, v2  }
0x1b6: {  	v8 =	vadd.f32 v8, v3  }
0x1b7: {  	[tilespmem:v11+s21+$0x0] =	vst.idx.msk $0xffff, v7  }
0x1b8: {  	[tilespmem:v63+s21+$0x0] =	vst.idx.msk $0xffff, v8  }
0x1b9: {  	v7 =	vld [tilespmem:s1+$0x60];
	_ =	sdelay $0x2  }
0x1ba: {  	v8 =	vld [tilespmem:s1+$0x70]  }
0x1bb: {  	v9 =	vor.u32 $0x7, v9  }
0x1bc: {  	v11 =	vadd.f32 v7, v2;
	v7 =	vor.u32 $0x7, v10;
	_ =	sdelay $0x2  }
0x1bd: {  	v8 =	vadd.f32 v8, v3  }
0x1be: {  	s11 =	simm.s32 $0x0;
	s6 =	smov.u32 s1;
	[tilespmem:v9+s21+$0x0] =	vst.idx.msk $0xffff, v11  }
.LBB2_16:
0x1bf: {  	s11 =	sadd.s32 $0x8, s11;
	[tilespmem:v7+s21+$0x0] =	vst.idx.msk $0xffff, v8;
	v5 =	vadd.s32 $0x8, v5;
	s6 =	sadd.s32 $0x100, s6  }
0x1c0: {  	v7 =	vld [tilespmem:s6+$0xFFFFFF80];
	p0 =	slt.u32 s11, $0x78  }
0x1c1: {  	v8 =	vld [tilespmem:s6+$0xFFFFFF90]  }
0x1c2: {  	v9 =	vadd.s32 v5, v4  }
0x1c3: {  	v10 =	vadd.s32 v5, v6;
	_ =	sdelay $0x1  }
0x1c4: {  	v7 =	vadd.f32 v7, v2  }
0x1c5: {  	v8 =	vadd.f32 v8, v3  }
0x1c6: {  	[tilespmem:v9+s21+$0x0] =	vst.idx.msk $0xffff, v7  }
0x1c7: {  	[tilespmem:v10+s21+$0x0] =	vst.idx.msk $0xffff, v8  }
0x1c8: {  	v7 =	vld [tilespmem:s6+$0xFFFFFFA0]  }
0x1c9: {  	v8 =	vld [tilespmem:s6+$0xFFFFFFB0]  }
0x1ca: {  	v11 =	vor.u32 $0x1, v9  }
0x1cb: {  	v12 =	vor.u32 $0x1, v10;
	_ =	sdelay $0x1  }
0x1cc: {  	v7 =	vadd.f32 v7, v2  }
0x1cd: {  	v8 =	vadd.f32 v8, v3  }
0x1ce: {  	[tilespmem:v11+s21+$0x0] =	vst.idx.msk $0xffff, v7  }
0x1cf: {  	[tilespmem:v12+s21+$0x0] =	vst.idx.msk $0xffff, v8  }
0x1d0: {  	v7 =	vld [tilespmem:s6+$0xFFFFFFC0]  }
0x1d1: {  	v8 =	vld [tilespmem:s6+$0xFFFFFFD0]  }
0x1d2: {  	v11 =	vor.u32 $0x2, v9  }
0x1d3: {  	v12 =	vor.u32 $0x2, v10;
	_ =	sdelay $0x1  }
0x1d4: {  	v7 =	vadd.f32 v7, v2  }
0x1d5: {  	v8 =	vadd.f32 v8, v3  }
0x1d6: {  	[tilespmem:v11+s21+$0x0] =	vst.idx.msk $0xffff, v7  }
0x1d7: {  	[tilespmem:v12+s21+$0x0] =	vst.idx.msk $0xffff, v8  }
0x1d8: {  	v7 =	vld [tilespmem:s6+$0xFFFFFFE0]  }
0x1d9: {  	v8 =	vld [tilespmem:s6+$0xFFFFFFF0]  }
0x1da: {  	v11 =	vor.u32 $0x3, v9  }
0x1db: {  	v12 =	vor.u32 $0x3, v10;
	_ =	sdelay $0x1  }
0x1dc: {  	v7 =	vadd.f32 v7, v2  }
0x1dd: {  	v8 =	vadd.f32 v8, v3  }
0x1de: {  	[tilespmem:v11+s21+$0x0] =	vst.idx.msk $0xffff, v7  }
0x1df: {  	[tilespmem:v12+s21+$0x0] =	vst.idx.msk $0xffff, v8  }
0x1e0: {  	v7 =	vld [tilespmem:s6+$0x0]  }
0x1e1: {  	v8 =	vld [tilespmem:s6+$0x10]  }
0x1e2: {  	v11 =	vor.u32 $0x4, v9  }
0x1e3: {  	v12 =	vor.u32 $0x4, v10;
	_ =	sdelay $0x1  }
0x1e4: {  	v7 =	vadd.f32 v7, v2  }
0x1e5: {  	v8 =	vadd.f32 v8, v3  }
0x1e6: {  	[tilespmem:v11+s21+$0x0] =	vst.idx.msk $0xffff, v7  }
0x1e7: {  	[tilespmem:v12+s21+$0x0] =	vst.idx.msk $0xffff, v8  }
0x1e8: {  	v7 =	vld [tilespmem:s6+$0x20]  }
0x1e9: {  	v8 =	vld [tilespmem:s6+$0x30]  }
0x1ea: {  	v11 =	vor.u32 $0x5, v9  }
0x1eb: {  	v12 =	vor.u32 $0x5, v10;
	_ =	sdelay $0x1  }
0x1ec: {  	v7 =	vadd.f32 v7, v2  }
0x1ed: {  	v8 =	vadd.f32 v8, v3  }
0x1ee: {  	[tilespmem:v11+s21+$0x0] =	vst.idx.msk $0xffff, v7  }
0x1ef: {  	[tilespmem:v12+s21+$0x0] =	vst.idx.msk $0xffff, v8  }
0x1f0: {  	v7 =	vld [tilespmem:s6+$0x40]  }
0x1f1: {  	v8 =	vld [tilespmem:s6+$0x50]  }
0x1f2: {  	v11 =	vor.u32 $0x6, v9  }
0x1f3: {  	v12 =	vor.u32 $0x6, v10;
	_ =	sdelay $0x1  }
0x1f4: {  	v7 =	vadd.f32 v7, v2  }
0x1f5: {  	v8 =	vadd.f32 v8, v3  }
0x1f6: {  	[tilespmem:v11+s21+$0x0] =	vst.idx.msk $0xffff, v7  }
0x1f7: {  	[tilespmem:v12+s21+$0x0] =	vst.idx.msk $0xffff, v8  }
0x1f8: {  	v8 =	vld [tilespmem:s6+$0x60]  }
0x1f9: {  	v11 =	vld [tilespmem:s6+$0x70]  }
0x1fa: {  	v9 =	vor.u32 $0x7, v9  }
.Ltmp6:
0x1fb: {  	v7 =	vor.u32 $0x7, v10;
	(pc) =	sbr.rel @p0 .LBB2_16-.Ltmp6, $4  }
0x1fc: {  	_ = 	snop  }
0x1fd: {  	v10 =	vadd.f32 v8, v2  }
0x1fe: {  	v8 =	vadd.f32 v11, v3  }
0x1ff: {  	[tilespmem:v9+s21+$0x0] =	vst.idx.msk $0xffff, v10  }
0x200: {  	s0 =	sadd.s32 $0x1, s0  }
0x201: {  	p0 =	sne.s32 s0, $0x4  }
.Ltmp7:
0x202: {  	_ = 	snop;
	(pc) =	sbr.rel @p0 .LBB2_15-.Ltmp7, $2  }
0x203: {  	_ =	sdelay $0x2  }
0x204: {  	[tilespmem:v7+s21+$0x0] =	vst.idx.msk $0xffff, v8;
	s1 =	sadd.s32 $0x1000, s1  }
0x205: {  	s0 =	simm.s32 $0x0;
	s1 =	sadd.s32 $0x0, s29  }
0x206: {  	s1 =	sshll.u32 s1, $0x11;
	s0 =	sand.u32 $0x18000, s0  }
0x207: {  	s0 =	sor.u32 s0, s1  }
0x208: {  	s0 =	sor.u32 s28, s0  }
0x209: {  	s0 =	sshrl.u32 s0, $0x3  }
0x20a: {  	s6 =	simm.s32 $0xE500;
	s0 =	sadd.s32 s3, s0  }
0x20b: {  	[hbm4b:s0+s4] =	stream.linear.scatter [tilespmem:s6], [sflag:$0x4], $0x80, $0x38;
	[tilespmem:$0x12900] =	vst v63  }
0x20c: {  	s8 =	simm.s32 $0xE588;
	s10 =	simm.s32 $0xE610;
	s2 =	sadd.s32 $0x10, s0  }
0x20d: {  	[hbm4b:s2+s4] =	stream.linear.scatter [tilespmem:s8], [sflag:$0x4], $0x80, $0x38;
	[tilespmem:$0x12900] =	vst v63  }
0x20e: {  	s17 =	simm.s32 $0xE698;
	s30 =	simm.s32 $0xE720;
	s11 =	sadd.s32 $0x20, s0  }
0x20f: {  	[hbm4b:s11+s4] =	stream.linear.scatter [tilespmem:s10], [sflag:$0x4], $0x80, $0x38;
	[tilespmem:$0x12900] =	vst v63  }
0x210: {  	s31 =	simm.s32 $0xE7A8;
	s1 =	simm.s32 $0x1100;
	s24 =	sadd.s32 $0x30, s0  }
0x211: {  	[hbm4b:s24+s4] =	stream.linear.scatter [tilespmem:s17], [sflag:$0x4], $0x80, $0x38;
	[tilespmem:$0x12900] =	vst v63  }
0x212: {  	s6 =	sadd.s32 $0x40, s0;
	s8 =	sadd.s32 $0x50, s0;
	s2 =	simm.s32 $0xE830  }
0x213: {  	[hbm4b:s6+s4] =	stream.linear.scatter [tilespmem:s30], [sflag:$0x4], $0x80, $0x38;
	[tilespmem:$0x12900] =	vst v63  }
0x214: {  	s11 =	simm.s32 $0x0;
	s10 =	simm.s32 $0x1;
	s24 =	sadd.s32 $0x0, s29  }
0x215: {  	[hbm4b:s8+s4] =	stream.linear.scatter [tilespmem:s31], [sflag:$0x4], $0x80, $0x38;
	[tilespmem:$0x12900] =	vst v63  }
0x216: {  	s17 =	sadd.s32 $0x60, s0;
	s6 =	simm.s32 $0x2200;
	s8 =	simm.s32 $0x8000  }
.LBB2_19:
0x217: {  	[hbm4b:s17+s4] =	stream.linear.scatter [tilespmem:s2], [sflag:$0x4], $0x80, $0x38;
	[tilespmem:$0x12900] =	vst v63  }
0x218: {  	p0 =	sne.s32 s6, $0xFF00;
	s2 =	sshll.u32 s24, $0x11;
	s17 =	sand.u32 $0x18000, s8  }
0x219: {  	s2 =	sor.u32 s17, s2;
	s17 =	smov.u32 s6;
	s6 =	sadd.s32 $0x1100, s6  }
0x21a: {  	s24 =	sadd.s32 $0xE8B8, s11;
	s0 =	sadd.s32 $0x70, s0;
	s2 =	sor.u32 s28, s2  }
0x21b: {  	s11 =	sshra.s32 s1, $0x2;
	s1 =	smov.u32 s17;
	s2 =	sshrl.u32 s2, $0x3  }
0x21c: {  	[hbm4b:s0+s4] =	stream.linear.scatter [tilespmem:s24], [sflag:$0x4], $0x80, $0x38;
	[tilespmem:$0x12900] =	vst v63  }
0x21d: {  	s0 =	sadd.s32 s3, s2;
	s2 =	sadd.s32 $0xE500, s11  }
0x21e: {  	[hbm4b:s0+s4] =	stream.linear.scatter [tilespmem:s2], [sflag:$0x4], $0x80, $0x38;
	[tilespmem:$0x12900] =	vst v63  }
0x21f: {  	s17 =	sadd.s32 $0x10, s0;
	s2 =	sadd.s32 $0xE588, s11  }
0x220: {  	[hbm4b:s17+s4] =	stream.linear.scatter [tilespmem:s2], [sflag:$0x4], $0x80, $0x38;
	[tilespmem:$0x12900] =	vst v63  }
0x221: {  	s8 =	sadd.s32 $0x8000, s8;
	s2 =	sadd.s32 $0xE610, s11;
	s17 =	sadd.s32 $0x20, s0  }
0x222: {  	[hbm4b:s17+s4] =	stream.linear.scatter [tilespmem:s2], [sflag:$0x4], $0x80, $0x38;
	[tilespmem:$0x12900] =	vst v63  }
0x223: {  	s10 =	sadd.s32 $0x1, s10;
	s2 =	sadd.s32 $0xE698, s11;
	s17 =	sadd.s32 $0x30, s0  }
0x224: {  	[hbm4b:s17+s4] =	stream.linear.scatter [tilespmem:s2], [sflag:$0x4], $0x80, $0x38;
	[tilespmem:$0x12900] =	vst v63  }
.Ltmp8:
0x225: {  	s2 =	sadd.s32 $0xE720, s11;
	s17 =	sadd.s32 $0x40, s0;
	(pc) =	sbr.rel @p0 .LBB2_19-.Ltmp8, $4  }
0x226: {  	[hbm4b:s17+s4] =	stream.linear.scatter [tilespmem:s2], [sflag:$0x4], $0x80, $0x38;
	[tilespmem:$0x12900] =	vst v63  }
0x227: {  	s24 =	sadd.s32 $0x50, s0;
	s2 =	sshrl.u32 s10, $0x2;
	s17 =	sadd.s32 $0xE7A8, s11  }
0x228: {  	[hbm4b:s24+s4] =	stream.linear.scatter [tilespmem:s17], [sflag:$0x4], $0x80, $0x38;
	[tilespmem:$0x12900] =	vst v63  }
0x229: {  	s24 =	sadd.s32 s29, s2;
	s2 =	sadd.s32 $0xE830, s11;
	s17 =	sadd.s32 $0x60, s0  }
0x22a: {  	[hbm4b:s17+s4] =	stream.linear.scatter [tilespmem:s2], [sflag:$0x4], $0x80, $0x38;
	[tilespmem:$0x12900] =	vst v63  }
0x22b: {  	s24 =	sshll.u32 s24, $0x11;
	s6 =	sand.u32 $0x18000, s8  }
0x22c: {  	s2 =	sor.u32 s6, s24  }
0x22d: {  	s0 =	sadd.s32 $0x70, s0;
	s2 =	sor.u32 s28, s2  }
0x22e: {  	s1 =	sshra.s32 s1, $0x2;
	s28 =	sadd.s32 $0xE8B8, s11;
	s2 =	sshrl.u32 s2, $0x3  }
0x22f: {  	[hbm4b:s0+s4] =	stream.linear.scatter [tilespmem:s28], [sflag:$0x4], $0x80, $0x38;
	[tilespmem:$0x12900] =	vst v63  }
0x230: {  	s29 =	sadd.s32 $0xE500, s1;
	s0 =	sadd.s32 s3, s2  }
0x231: {  	[hbm4b:s0+s4] =	stream.linear.scatter [tilespmem:s29], [sflag:$0x4], $0x80, $0x38;
	[tilespmem:$0x12900] =	vst v63  }
0x232: {  	s30 =	sadd.s32 $0xE588, s1;
	s31 =	sadd.s32 $0x10, s0  }
0x233: {  	[hbm4b:s31+s4] =	stream.linear.scatter [tilespmem:s30], [sflag:$0x4], $0x80, $0x38;
	[tilespmem:$0x12900] =	vst v63  }
0x234: {  	s6 =	sadd.s32 $0xE610, s1;
	s8 =	sadd.s32 $0x20, s0  }
0x235: {  	[hbm4b:s8+s4] =	stream.linear.scatter [tilespmem:s6], [sflag:$0x4], $0x80, $0x38;
	[tilespmem:$0x12900] =	vst v63  }
0x236: {  	s10 =	sadd.s32 $0xE698, s1;
	s11 =	sadd.s32 $0x30, s0  }
0x237: {  	[hbm4b:s11+s4] =	stream.linear.scatter [tilespmem:s10], [sflag:$0x4], $0x80, $0x38;
	[tilespmem:$0x12900] =	vst v63  }
0x238: {  	s26 =	sadd.s32 $0x1, s26;
	s17 =	sadd.s32 $0xE720, s1;
	s24 =	sadd.s32 $0x40, s0  }
0x239: {  	[hbm4b:s24+s4] =	stream.linear.scatter [tilespmem:s17], [sflag:$0x4], $0x80, $0x38;
	[tilespmem:$0x12900] =	vst v63  }
0x23a: {  	p0 =	sne.s32 s26, $0x19;
	s28 =	sadd.s32 $0xE7A8, s1;
	s29 =	sadd.s32 $0x50, s0  }
0x23b: {  	[hbm4b:s29+s4] =	stream.linear.scatter [tilespmem:s28], [sflag:$0x4], $0x80, $0x38;
	[tilespmem:$0x12900] =	vst v63  }
.Ltmp9:
0x23c: {  	_ = 	snop;
	(pc) =	sbr.rel @p0 .LBB2_4-.Ltmp9, $4  }
0x23d: {  	s30 =	sadd.s32 $0xE830, s1;
	s31 =	sadd.s32 $0x60, s0  }
0x23e: {  	[hbm4b:s31+s4] =	stream.linear.scatter [tilespmem:s30], [sflag:$0x4], $0x80, $0x38;
	[tilespmem:$0x12900] =	vst v63  }
0x23f: {  	s1 =	sadd.s32 $0xE8B8, s1;
	s0 =	sadd.s32 $0x70, s0  }
0x240: {  	[hbm4b:s0+s4] =	stream.linear.scatter [tilespmem:s1], [sflag:$0x4], $0x80, $0x38;
	[tilespmem:$0x12900] =	vst v63  }
0x241: {  	_ =	swait.ge [sflag:s16], $0x4000  }
0x242: {  	[sflag:s16] =	ssyncset.done $0x0  }
0x243: {  	[sflag:s16] =	ssyncadd.s32 $0xFFFFC000  }
0x244: {  	_ =	swait.ge [sflag:s22], $0x400  }
0x245: {  	[sflag:s22] =	ssyncset.done $0x0  }
0x246: {  	[sflag:s22] =	ssyncadd.s32 $0xFFFFFC00  }
0x247: {  	_ =	swait.ge [sflag:s22], $0x400  }
0x248: {  	[sflag:s22] =	ssyncset.done $0x0  }
0x249: {  	[sflag:s22] =	ssyncadd.s32 $0xFFFFFC00  }
0x24a: {  	_ =	swait.ge [sflag:s22], $0x400  }
0x24b: {  	[sflag:s22] =	ssyncset.done $0x0  }
0x24c: {  	[sflag:s22] =	ssyncadd.s32 $0xFFFFFC00  }
0x24d: {  	_ =	swait.ge [sflag:s22], $0x400  }
0x24e: {  	[sflag:s22] =	ssyncset.done $0x0  }
0x24f: {  	[sflag:s22] =	ssyncadd.s32 $0xFFFFFC00  }
0x250: {  	_ =	swait.ge [sflag:s22], $0x400  }
0x251: {  	[sflag:s22] =	ssyncset.done $0x0  }
0x252: {  	[sflag:s22] =	ssyncadd.s32 $0xFFFFFC00  }
0x253: {  	_ =	swait.ge [sflag:s22], $0x400  }
0x254: {  	[sflag:s22] =	ssyncset.done $0x0  }
0x255: {  	[sflag:s22] =	ssyncadd.s32 $0xFFFFFC00  }
0x256: {  	_ =	swait.ge [sflag:s22], $0x400  }
0x257: {  	[sflag:s22] =	ssyncset.done $0x0  }
0x258: {  	[sflag:s22] =	ssyncadd.s32 $0xFFFFFC00  }
0x259: {  	_ =	swait.ge [sflag:s22], $0x400  }
0x25a: {  	[sflag:s22] =	ssyncset.done $0x0  }
0x25b: {  	[sflag:s22] =	ssyncadd.s32 $0xFFFFFC00  }
0x25c: {  	_ =	swait.ge [sflag:s22], $0x400  }
0x25d: {  	[sflag:s22] =	ssyncset.done $0x0  }
0x25e: {  	[sflag:s22] =	ssyncadd.s32 $0xFFFFFC00  }
0x25f: {  	_ =	swait.ge [sflag:s22], $0x400  }
0x260: {  	[sflag:s22] =	ssyncset.done $0x0  }
0x261: {  	[sflag:s22] =	ssyncadd.s32 $0xFFFFFC00  }
0x262: {  	_ =	swait.ge [sflag:s22], $0x400  }
0x263: {  	[sflag:s22] =	ssyncset.done $0x0  }
0x264: {  	[sflag:s22] =	ssyncadd.s32 $0xFFFFFC00  }
0x265: {  	_ =	swait.ge [sflag:s22], $0x400  }
0x266: {  	[sflag:s22] =	ssyncset.done $0x0  }
0x267: {  	[sflag:s22] =	ssyncadd.s32 $0xFFFFFC00  }
0x268: {  	_ =	swait.ge [sflag:s22], $0x400  }
0x269: {  	[sflag:s22] =	ssyncset.done $0x0  }
0x26a: {  	[sflag:s22] =	ssyncadd.s32 $0xFFFFFC00  }
0x26b: {  	_ =	swait.ge [sflag:s22], $0x400  }
0x26c: {  	[sflag:s22] =	ssyncset.done $0x0  }
0x26d: {  	[sflag:s22] =	ssyncadd.s32 $0xFFFFFC00  }
0x26e: {  	_ =	swait.ge [sflag:s22], $0x400  }
0x26f: {  	[sflag:s22] =	ssyncset.done $0x0  }
0x270: {  	[sflag:s22] =	ssyncadd.s32 $0xFFFFFC00  }
0x271: {  	_ =	swait.ge [sflag:s22], $0x400  }
0x272: {  	[sflag:s22] =	ssyncset.done $0x0  }
0x273: {  	[sflag:s22] =	ssyncadd.s32 $0xFFFFFC00  }
0x274: {  	_ =	swait.ge [sflag:s23], $0x400  }
0x275: {  	[sflag:s23] =	ssyncset.done $0x0  }
0x276: {  	[sflag:s23] =	ssyncadd.s32 $0xFFFFFC00  }
0x277: {  	_ =	swait.ge [sflag:s23], $0x400  }
0x278: {  	[sflag:s23] =	ssyncset.done $0x0  }
0x279: {  	[sflag:s23] =	ssyncadd.s32 $0xFFFFFC00  }
0x27a: {  	_ =	swait.ge [sflag:s23], $0x400  }
0x27b: {  	[sflag:s23] =	ssyncset.done $0x0  }
0x27c: {  	[sflag:s23] =	ssyncadd.s32 $0xFFFFFC00  }
0x27d: {  	_ =	swait.ge [sflag:s23], $0x400  }
0x27e: {  	[sflag:s23] =	ssyncset.done $0x0  }
0x27f: {  	[sflag:s23] =	ssyncadd.s32 $0xFFFFFC00  }
0x280: {  	_ =	swait.ge [sflag:s23], $0x400  }
0x281: {  	[sflag:s23] =	ssyncset.done $0x0  }
0x282: {  	[sflag:s23] =	ssyncadd.s32 $0xFFFFFC00  }
0x283: {  	_ =	swait.ge [sflag:s23], $0x400  }
0x284: {  	[sflag:s23] =	ssyncset.done $0x0  }
0x285: {  	[sflag:s23] =	ssyncadd.s32 $0xFFFFFC00  }
0x286: {  	_ =	swait.ge [sflag:s23], $0x400  }
0x287: {  	[sflag:s23] =	ssyncset.done $0x0  }
0x288: {  	[sflag:s23] =	ssyncadd.s32 $0xFFFFFC00  }
0x289: {  	_ =	swait.ge [sflag:s23], $0x400  }
0x28a: {  	[sflag:s23] =	ssyncset.done $0x0  }
0x28b: {  	[sflag:s23] =	ssyncadd.s32 $0xFFFFFC00  }
0x28c: {  	_ =	swait.ge [sflag:s23], $0x400  }
0x28d: {  	[sflag:s23] =	ssyncset.done $0x0  }
0x28e: {  	[sflag:s23] =	ssyncadd.s32 $0xFFFFFC00  }
0x28f: {  	_ =	swait.ge [sflag:s23], $0x400  }
0x290: {  	[sflag:s23] =	ssyncset.done $0x0  }
0x291: {  	[sflag:s23] =	ssyncadd.s32 $0xFFFFFC00  }
0x292: {  	_ =	swait.ge [sflag:s23], $0x400  }
0x293: {  	[sflag:s23] =	ssyncset.done $0x0  }
0x294: {  	[sflag:s23] =	ssyncadd.s32 $0xFFFFFC00  }
0x295: {  	_ =	swait.ge [sflag:s23], $0x400  }
0x296: {  	[sflag:s23] =	ssyncset.done $0x0  }
0x297: {  	[sflag:s23] =	ssyncadd.s32 $0xFFFFFC00  }
0x298: {  	_ =	swait.ge [sflag:s23], $0x400  }
0x299: {  	[sflag:s23] =	ssyncset.done $0x0  }
0x29a: {  	[sflag:s23] =	ssyncadd.s32 $0xFFFFFC00  }
0x29b: {  	_ =	swait.ge [sflag:s23], $0x400  }
0x29c: {  	[sflag:s23] =	ssyncset.done $0x0  }
0x29d: {  	[sflag:s23] =	ssyncadd.s32 $0xFFFFFC00  }
0x29e: {  	_ =	swait.ge [sflag:s23], $0x400  }
0x29f: {  	[sflag:s23] =	ssyncset.done $0x0  }
0x2a0: {  	[sflag:s23] =	ssyncadd.s32 $0xFFFFFC00  }
0x2a1: {  	_ =	swait.ge [sflag:s23], $0x400  }
0x2a2: {  	s1 =	rddreg [dreg:$0x7]  }
0x2a3: {  	s0 =	rddreg [dreg:$0x6];
	s1 =	sadd.s32 $0x1, s1  }
0x2a4: {  	p0 =	sne.s32 s1, s0  }
.Ltmp10:
0x2a5: {  	_ = 	snop;
	(pc) =	sbr.rel @p0 .LBB2_1-.Ltmp10, $3  }
0x2a6: {  	_ =	sdelay $0x1  }
0x2a7: {  	[sflag:s23] =	ssyncset.done $0x0  }
0x2a8: {  	[sflag:s23] =	ssyncadd.s32 $0xFFFFFC00  }
0x2a9: {  	_ =	sfence.sel $0x180000  }
0x2aa: {  	[bflag:$0x0] =	sbarrier.arrive $0xFFFF  }
0x2ab: {  	_ =	strace $0x90000047  }
0x2ac: {  	s0 =	stileid.u32;
	[bflag:$0x2] =	sbarrier.arrive $0xFFFF  }
0x2ad: {  	p0 =	sne.s32 s0, $0x0;
	s0 =	rddreg [dreg:$0x3]  }
0x2ae: {  	s0 =	sadd.s32 @!p0 $0x100000, s0  }
0x2af: {  	[sflag:s0] =	ssyncadd.tile.s32 @!p0 $0x1;
	_ =	shalt  }
.Lfunc_end2:
_tile_overlayer_lowered:
.L_overlay_start_2:
0x2b0: {  	(tag) =	ssettag $0x2  }
0x2b1: {  	s0 =	rddreg [dreg:$0x0];
	s2 =	stileid.u32  }
0x2b2: {  	s1 =	rddreg [dreg:$0x1];
	p0 =	sne.s32 s2, $0x0  }
0x2b3: {  	s3 =	rddreg [dreg:$0x2];
	[bflag:$0x3] =	sbarrier.arrive $0xFFFF;
	s2 =	simm.s32 @!p0 $0x1C05  }
0x2b4: {  	[timem:s3], [sflag:s2] =	dma.local @!p0 [hbm:s0], s1  }
0x2b5: {  	s0 =	simm.s32 @!p0 $0x5  }
0x2b6: {  	_ =	swait.ge @!p0 [sflag:s0], s1  }
0x2b7: {  	s1 =	ssub.s32 @!p0 $0x0, s1;
	[sflag:s0] =	ssyncset.done @!p0 $0x0  }
0x2b8: {  	[sflag:s0] =	ssyncadd.s32 @!p0 s1  }
0x2b9: {  	[bflag:$0x3] =	sbarrier.arrive $0xFFFF  }
0x2ba: {  	_ =	shalt  }

</sc_bundles>
